<compile_context>
chip_gen: v7x
topology: tpu7x:2x2x1
jax: 0.10.2.dev20260603
libtpu: 0.0.44.dev20260713+nightly
codegen_flags: <defaults>
</compile_context>

<pallas_src>
import jax
import jax.numpy as jnp
from jax import lax
from jax.experimental import pallas as pl
from jax.experimental.pallas import tpu as pltpu
from jax.experimental.pallas import tpu_sc as plsc

VOC = 1000000
EMB = 64
BATCH = 4096
SEQ = 200
NC, NS = 2, 16
J_PER_CORE = EMB // NC
HB = BATCH // 2
NK = SEQ * 2 // NS
RING = 3


def kernel(tok_ids, word_emb):
    tab_t = word_emb.T
    tok_t = tok_ids.T

    mesh = plsc.VectorSubcoreMesh(core_axis_name="c", subcore_axis_name="s")

    @pl.kernel(
        out_type=jax.ShapeDtypeStruct((SEQ, EMB, BATCH), jnp.float32),
        mesh=mesh,
        scratch_types=[
            pltpu.VMEM_SHARED((VOC,), jnp.float32),
            pltpu.VMEM((NK * HB,), jnp.int32),
            pltpu.VMEM((RING * HB,), jnp.float32),
            pltpu.SemaphoreType.DMA((3,)),
            pltpu.SemaphoreType.DMA((RING,)),
        ],
    )
    def sc_embed(tab_hbm, tok_hbm, out_hbm, row_sh, idx_v, dst_v, sem_g,
                 sem_o):
        cid = lax.axis_index("c")
        sid = lax.axis_index("s")

        def idx_at(k):
            return idx_v.at[pl.ds(k * HB, HB)]

        def sem_gk(k):
            return sem_g.at[k % 3]

        def ring_g(g):
            return dst_v.at[pl.ds((g % RING) * HB, HB)]

        def out_g(g, jj):
            hr = (g % NK) * NS + sid
            return out_hbm.at[hr // 2, jj, pl.ds((hr % 2) * HB, HB)]

        def wait_out(g):
            pltpu.make_async_copy(
                ring_g(g), out_g(g, cid * J_PER_CORE + g // NK),
                sem_o.at[g % RING]).wait()

        @pl.loop(0, NK)
        def _(k):
            hr = k * NS + sid
            pltpu.async_copy(
                tok_hbm.at[hr // 2, pl.ds((hr % 2) * HB, HB)],
                idx_at(k), sem_gk(k))

        @pl.loop(0, NK)
        def _(k):
            hr = k * NS + sid
            pltpu.make_async_copy(
                tok_hbm.at[hr // 2, pl.ds((hr % 2) * HB, HB)],
                idx_at(k), sem_gk(k)).wait()

        @pl.loop(0, J_PER_CORE)
        def _(j):
            jj = cid * J_PER_CORE + j

            @pl.when(sid == 0)
            def _():
                pltpu.sync_copy(tab_hbm.at[jj], row_sh)

            @pl.loop(0, NK)
            def _(k):
                g = j * NK + k

                @pl.when(g >= RING)
                def _():
                    wait_out(g - RING)

                pltpu.async_copy(row_sh.at[idx_at(k)], ring_g(g), sem_gk(k))

                @pl.when(k >= 2)
                def _():
                    pltpu.make_async_copy(
                        row_sh.at[idx_at(k - 2)], ring_g(g - 2),
                        sem_gk(k - 2)).wait()
                    pltpu.async_copy(ring_g(g - 2), out_g(g - 2, jj),
                                     sem_o.at[(g - 2) % RING])

            @pl.loop(NK - 2, NK)
            def _(k):
                g = j * NK + k
                pltpu.make_async_copy(
                    row_sh.at[idx_at(k)], ring_g(g), sem_gk(k)).wait()
                pltpu.async_copy(ring_g(g), out_g(g, jj),
                                 sem_o.at[g % RING])

        @pl.loop(0, RING)
        def _(t):
            wait_out(J_PER_CORE * NK - RING + t)

    out = sc_embed(tab_t, tok_t)
    return jnp.transpose(out, (2, 0, 1))

# --- scband reference (transcript-rebuilt; emitter-appended) ---
"""Pipeline reference for scband-token-embedding-32323923870181 (READ-ONLY COPY).

The authoritative reference and input builder live on the scoring server;
editing this copy changes nothing except your own understanding.
"""

import jax, jax.numpy as jnp
import numpy as np

VOC_DIM = 1000000
EMB_DIM = 64
PAD_IDX = 0
BATCH = 4096
SEQ = 200


def setup_inputs(seed: int = 0) -> dict:
    key = jax.random.key(seed)
    k_ids, k_tab = jax.random.split(key)
    tok_ids = jax.random.randint(k_ids, (BATCH, SEQ), 0, VOC_DIM, dtype=jnp.int64 if jax.config.jax_enable_x64 else jnp.int32)
    word_emb = jax.random.normal(k_tab, (VOC_DIM, EMB_DIM), dtype=jnp.float32) * 0.02
    # padding_idx row is zero, matching torch.nn.Embedding(padding_idx=...)
    word_emb = word_emb.at[PAD_IDX].set(0.0)
    return {"tok_ids": tok_ids, "word_emb": word_emb}


def reference(tok_ids, word_emb):
    # TokenEmbedding.forward without pos_emb (use_pos_emb=False):
    # word_embedded = self.word_emb(tok_ids)
    word_embedded = jnp.take(word_emb, tok_ids, axis=0)
    return word_embedded

if __name__ == "__main__":
    import jax
    _d = setup_inputs()
    print(jax.jit(kernel)(*tuple(_d.values())))

</pallas_src>

<mosaic_0001>
#map = affine_map<(d0, d1) -> (0, 0)>
#map1 = affine_map<(d0, d1) -> (0, 0, 0)>
module attributes {stable_mosaic.version = 14 : i64} {
  func.func @sc_embed(%arg0: i32, %arg1: i32, %arg2: memref<64x1000000xf32, #tpu.memory_space<hbm>>, %arg3: memref<200x4096xi32, #tpu.memory_space<hbm>>, %arg4: memref<200x64x4096xf32, #tpu.memory_space<hbm>>, %arg5: memref<1000000xf32, #tpu.memory_space<vmem_shared>>, %arg6: memref<51200xi32, #tpu.memory_space<vmem>>, %arg7: memref<6144xf32, #tpu.memory_space<vmem>>, %arg8: memref<3x!tpu.dma_semaphore, #tpu.memory_space<semaphore_mem>>, %arg9: memref<3x!tpu.dma_semaphore, #tpu.memory_space<semaphore_mem>>) attributes {dimension_semantics = [#tpu.dimension_semantics<core_parallel>, #tpu.dimension_semantics<subcore_parallel>], iteration_bounds = array<i64: 2, 16>, scalar_prefetch = 0 : i64, scratch_operands = 5 : i64, tpu.core_type = #tpu.core_type<sc_vector_subcore>, window_params = [{transform_indices = #map}, {transform_indices = #map}, {transform_indices = #map1}]} {
    %scan3A = arith.constant 0 : i32
    %scan3A_0 = arith.constant 25 : i32
    %scan3A_1 = arith.addi %scan3A, %scan3A_0 : i32
    %scan3A_2 = arith.constant 1 : i32
    scf.for %scan3A_19 = %scan3A to %scan3A_1 step %scan3A_2  : i32 {
      %mul3A = arith.constant 1 : i32
      %mul3A_20 = arith.muli %scan3A_19, %mul3A : i32
      %add3A = arith.constant 0 : i32
      %add3A_21 = arith.addi %add3A, %mul3A_20 : i32
      %mul3A_22 = arith.constant 16 : i32
      %mul3A_23 = arith.muli %add3A_21, %mul3A_22 : i32
      %add3A_24 = arith.addi %mul3A_23, %arg1 : i32
      %jit3A = arith.constant 2 : i32
      %div3A = arith.divsi %add3A_24, %jit3A : i32
      %sign3A = arith.constant 0 : i32
      %sign3A_25 = arith.cmpi sgt, %add3A_24, %sign3A : i32
      %sign3A_26 = arith.extui %sign3A_25 : i1 to i32
      %sign3A_27 = arith.constant 0 : i32
      %sign3A_28 = arith.cmpi slt, %add3A_24, %sign3A_27 : i32
      %sign3A_29 = arith.extui %sign3A_28 : i1 to i32
      %sign3A_30 = arith.subi %sign3A_26, %sign3A_29 : i32
      %sign3A_31 = arith.constant 0 : i32
      %sign3A_32 = arith.cmpi sgt, %jit3A, %sign3A_31 : i32
      %sign3A_33 = arith.extui %sign3A_32 : i1 to i32
      %sign3A_34 = arith.constant 0 : i32
      %sign3A_35 = arith.cmpi slt, %jit3A, %sign3A_34 : i32
      %sign3A_36 = arith.extui %sign3A_35 : i1 to i32
      %sign3A_37 = arith.subi %sign3A_33, %sign3A_36 : i32
      %ne3A = arith.cmpi ne, %sign3A_30, %sign3A_37 : i32
      %rem3A = arith.remsi %add3A_24, %jit3A : i32
      %ne3A_38 = arith.constant 0 : i32
      %ne3A_39 = arith.cmpi ne, %rem3A, %ne3A_38 : i32
      %and3A = arith.andi %ne3A, %ne3A_39 : i1
      %sub3A = arith.constant 1 : i32
      %sub3A_40 = arith.subi %div3A, %sub3A : i32
      %select_n3A = arith.select %and3A, %sub3A_40, %div3A : i32
      %jit3A_41 = arith.constant 2 : i32
      %eq3A = arith.constant 0 : i32
      %eq3A_42 = arith.cmpi eq, %jit3A_41, %eq3A : i32
      %jit3A_43 = arith.constant 1 : i32
      %select_n3A_44 = arith.select %eq3A_42, %jit3A_43, %jit3A_41 : i32
      %rem3A_45 = arith.remsi %add3A_24, %select_n3A_44 : i32
      %ne3A_46 = arith.constant 0 : i32
      %ne3A_47 = arith.cmpi ne, %rem3A_45, %ne3A_46 : i32
      %lt3A = arith.constant 0 : i32
      %lt3A_48 = arith.cmpi slt, %rem3A_45, %lt3A : i32
      %lt3A_49 = arith.constant 0 : i32
      %lt3A_50 = arith.cmpi slt, %select_n3A_44, %lt3A_49 : i32
      %ne3A_51 = arith.xori %lt3A_48, %lt3A_50 : i1
      %and3A_52 = arith.andi %ne3A_51, %ne3A_47 : i1
      %add3A_53 = arith.addi %rem3A_45, %select_n3A_44 : i32
      %select_n3A_54 = arith.select %and3A_52, %add3A_53, %rem3A_45 : i32
      %mul3A_55 = arith.constant 2048 : i32
      %mul3A_56 = arith.muli %select_n3A_54, %mul3A_55 : i32
      %mul3A_57 = arith.constant 2048 : i32
      %mul3A_58 = arith.muli %add3A_21, %mul3A_57 : i32
      %jit3A_59 = arith.constant 3 : i32
      %eq3A_60 = arith.constant 0 : i32
      %eq3A_61 = arith.cmpi eq, %jit3A_59, %eq3A_60 : i32
      %jit3A_62 = arith.constant 1 : i32
      %select_n3A_63 = arith.select %eq3A_61, %jit3A_62, %jit3A_59 : i32
      %rem3A_64 = arith.remsi %add3A_21, %select_n3A_63 : i32
      %ne3A_65 = arith.constant 0 : i32
      %ne3A_66 = arith.cmpi ne, %rem3A_64, %ne3A_65 : i32
      %lt3A_67 = arith.constant 0 : i32
      %lt3A_68 = arith.cmpi slt, %rem3A_64, %lt3A_67 : i32
      %lt3A_69 = arith.constant 0 : i32
      %lt3A_70 = arith.cmpi slt, %select_n3A_63, %lt3A_69 : i32
      %ne3A_71 = arith.xori %lt3A_68, %lt3A_70 : i1
      %and3A_72 = arith.andi %ne3A_71, %ne3A_66 : i1
      %add3A_73 = arith.addi %rem3A_64, %select_n3A_63 : i32
      %select_n3A_74 = arith.select %and3A_72, %add3A_73, %rem3A_64 : i32
      %dma_start3A = tpu.memref_slice %arg6[%mul3A_58] : memref<51200xi32, #tpu.memory_space<vmem>> -> memref<2048xi32, #tpu.memory_space<vmem>>
      %dma_start3A_75 = tpu.memref_slice %arg3[%select_n3A, %mul3A_56] : memref<200x4096xi32, #tpu.memory_space<hbm>> -> memref<1x2048xi32, #tpu.memory_space<hbm>>
      %dma_start3A_76 = tpu.memref_squeeze %dma_start3A_75 : memref<1x2048xi32, #tpu.memory_space<hbm>> -> memref<2048xi32, #tpu.memory_space<hbm>>
      %dma_start3A_77 = tpu.memref_slice %arg8[%select_n3A_74] : memref<3x!tpu.dma_semaphore, #tpu.memory_space<semaphore_mem>> -> memref<1x!tpu.dma_semaphore, #tpu.memory_space<semaphore_mem>>
      %dma_start3A_78 = tpu.memref_squeeze %dma_start3A_77 : memref<1x!tpu.dma_semaphore, #tpu.memory_space<semaphore_mem>> -> memref<!tpu.dma_semaphore, #tpu.memory_space<semaphore_mem>>
      %dma_start3A_79 = tpu.memref_slice %arg6[%mul3A_58] : memref<51200xi32, #tpu.memory_space<vmem>> -> memref<2048xi32, #tpu.memory_space<vmem>>
      %dma_start3A_80 = tpu.memref_slice %arg3[%select_n3A, %mul3A_56] : memref<200x4096xi32, #tpu.memory_space<hbm>> -> memref<1x2048xi32, #tpu.memory_space<hbm>>
      %dma_start3A_81 = tpu.memref_squeeze %dma_start3A_80 : memref<1x2048xi32, #tpu.memory_space<hbm>> -> memref<2048xi32, #tpu.memory_space<hbm>>
      tpu.enqueue_dma source(%dma_start3A_81 : memref<2048xi32, #tpu.memory_space<hbm>>) target(%dma_start3A_79 : memref<2048xi32, #tpu.memory_space<vmem>>) target_semaphore(%dma_start3A_78 : memref<!tpu.dma_semaphore, #tpu.memory_space<semaphore_mem>>)
    }
    %scan3A_3 = arith.constant 25 : i32
    %scan3A_4 = arith.constant 0 : i32
    %scan3A_5 = arith.constant 25 : i32
    %scan3A_6 = arith.addi %scan3A_4, %scan3A_5 : i32
    %scan3A_7 = arith.constant 1 : i32
    scf.for %scan3A_19 = %scan3A_4 to %scan3A_6 step %scan3A_7  : i32 {
      %mul3A = arith.constant 1 : i32
      %mul3A_20 = arith.muli %scan3A_19, %mul3A : i32
      %add3A = arith.constant 0 : i32
      %add3A_21 = arith.addi %add3A, %mul3A_20 : i32
      %mul3A_22 = arith.constant 16 : i32
      %mul3A_23 = arith.muli %add3A_21, %mul3A_22 : i32
      %add3A_24 = arith.addi %mul3A_23, %arg1 : i32
      %jit3A = arith.constant 2 : i32
      %div3A = arith.divsi %add3A_24, %jit3A : i32
      %sign3A = arith.constant 0 : i32
      %sign3A_25 = arith.cmpi sgt, %add3A_24, %sign3A : i32
      %sign3A_26 = arith.extui %sign3A_25 : i1 to i32
      %sign3A_27 = arith.constant 0 : i32
      %sign3A_28 = arith.cmpi slt, %add3A_24, %sign3A_27 : i32
      %sign3A_29 = arith.extui %sign3A_28 : i1 to i32
      %sign3A_30 = arith.subi %sign3A_26, %sign3A_29 : i32
      %sign3A_31 = arith.constant 0 : i32
      %sign3A_32 = arith.cmpi sgt, %jit3A, %sign3A_31 : i32
      %sign3A_33 = arith.extui %sign3A_32 : i1 to i32
      %sign3A_34 = arith.constant 0 : i32
      %sign3A_35 = arith.cmpi slt, %jit3A, %sign3A_34 : i32
      %sign3A_36 = arith.extui %sign3A_35 : i1 to i32
      %sign3A_37 = arith.subi %sign3A_33, %sign3A_36 : i32
      %ne3A = arith.cmpi ne, %sign3A_30, %sign3A_37 : i32
      %rem3A = arith.remsi %add3A_24, %jit3A : i32
      %ne3A_38 = arith.constant 0 : i32
      %ne3A_39 = arith.cmpi ne, %rem3A, %ne3A_38 : i32
      %and3A = arith.andi %ne3A, %ne3A_39 : i1
      %sub3A = arith.constant 1 : i32
      %sub3A_40 = arith.subi %div3A, %sub3A : i32
      %select_n3A = arith.select %and3A, %sub3A_40, %div3A : i32
      %jit3A_41 = arith.constant 2 : i32
      %eq3A = arith.constant 0 : i32
      %eq3A_42 = arith.cmpi eq, %jit3A_41, %eq3A : i32
      %jit3A_43 = arith.constant 1 : i32
      %select_n3A_44 = arith.select %eq3A_42, %jit3A_43, %jit3A_41 : i32
      %rem3A_45 = arith.remsi %add3A_24, %select_n3A_44 : i32
      %ne3A_46 = arith.constant 0 : i32
      %ne3A_47 = arith.cmpi ne, %rem3A_45, %ne3A_46 : i32
      %lt3A = arith.constant 0 : i32
      %lt3A_48 = arith.cmpi slt, %rem3A_45, %lt3A : i32
      %lt3A_49 = arith.constant 0 : i32
      %lt3A_50 = arith.cmpi slt, %select_n3A_44, %lt3A_49 : i32
      %ne3A_51 = arith.xori %lt3A_48, %lt3A_50 : i1
      %and3A_52 = arith.andi %ne3A_51, %ne3A_47 : i1
      %add3A_53 = arith.addi %rem3A_45, %select_n3A_44 : i32
      %select_n3A_54 = arith.select %and3A_52, %add3A_53, %rem3A_45 : i32
      %mul3A_55 = arith.constant 2048 : i32
      %mul3A_56 = arith.muli %select_n3A_54, %mul3A_55 : i32
      %mul3A_57 = arith.constant 2048 : i32
      %mul3A_58 = arith.muli %add3A_21, %mul3A_57 : i32
      %jit3A_59 = arith.constant 3 : i32
      %eq3A_60 = arith.constant 0 : i32
      %eq3A_61 = arith.cmpi eq, %jit3A_59, %eq3A_60 : i32
      %jit3A_62 = arith.constant 1 : i32
      %select_n3A_63 = arith.select %eq3A_61, %jit3A_62, %jit3A_59 : i32
      %rem3A_64 = arith.remsi %add3A_21, %select_n3A_63 : i32
      %ne3A_65 = arith.constant 0 : i32
      %ne3A_66 = arith.cmpi ne, %rem3A_64, %ne3A_65 : i32
      %lt3A_67 = arith.constant 0 : i32
      %lt3A_68 = arith.cmpi slt, %rem3A_64, %lt3A_67 : i32
      %lt3A_69 = arith.constant 0 : i32
      %lt3A_70 = arith.cmpi slt, %select_n3A_63, %lt3A_69 : i32
      %ne3A_71 = arith.xori %lt3A_68, %lt3A_70 : i1
      %and3A_72 = arith.andi %ne3A_71, %ne3A_66 : i1
      %add3A_73 = arith.addi %rem3A_64, %select_n3A_63 : i32
      %select_n3A_74 = arith.select %and3A_72, %add3A_73, %rem3A_64 : i32
      %dma_wait3A = tpu.memref_slice %arg6[%mul3A_58] : memref<51200xi32, #tpu.memory_space<vmem>> -> memref<2048xi32, #tpu.memory_space<vmem>>
      %dma_wait3A_75 = tpu.memref_slice %arg3[%select_n3A, %mul3A_56] : memref<200x4096xi32, #tpu.memory_space<hbm>> -> memref<1x2048xi32, #tpu.memory_space<hbm>>
      %dma_wait3A_76 = tpu.memref_squeeze %dma_wait3A_75 : memref<1x2048xi32, #tpu.memory_space<hbm>> -> memref<2048xi32, #tpu.memory_space<hbm>>
      %dma_wait3A_77 = tpu.memref_slice %arg8[%select_n3A_74] : memref<3x!tpu.dma_semaphore, #tpu.memory_space<semaphore_mem>> -> memref<1x!tpu.dma_semaphore, #tpu.memory_space<semaphore_mem>>
      %dma_wait3A_78 = tpu.memref_squeeze %dma_wait3A_77 : memref<1x!tpu.dma_semaphore, #tpu.memory_space<semaphore_mem>> -> memref<!tpu.dma_semaphore, #tpu.memory_space<semaphore_mem>>
      %dma_wait3A_79 = tpu.memref_slice %arg6[%mul3A_58] : memref<51200xi32, #tpu.memory_space<vmem>> -> memref<2048xi32, #tpu.memory_space<vmem>>
      %dma_wait3A_80 = tpu.memref_slice %arg3[%select_n3A, %mul3A_56] : memref<200x4096xi32, #tpu.memory_space<hbm>> -> memref<1x2048xi32, #tpu.memory_space<hbm>>
      %dma_wait3A_81 = tpu.memref_squeeze %dma_wait3A_80 : memref<1x2048xi32, #tpu.memory_space<hbm>> -> memref<2048xi32, #tpu.memory_space<hbm>>
      tpu.wait_dma2 semaphore(%dma_wait3A_78 : memref<!tpu.dma_semaphore, #tpu.memory_space<semaphore_mem>>) src(%dma_wait3A_81 : memref<2048xi32, #tpu.memory_space<hbm>>) dst(%dma_wait3A_79 : memref<2048xi32, #tpu.memory_space<vmem>>)
    }
    %scan3A_8 = arith.constant 25 : i32
    %scan3A_9 = arith.constant 0 : i32
    %scan3A_10 = arith.constant 32 : i32
    %scan3A_11 = arith.addi %scan3A_9, %scan3A_10 : i32
    %scan3A_12 = arith.constant 1 : i32
    scf.for %scan3A_19 = %scan3A_9 to %scan3A_11 step %scan3A_12  : i32 {
      %mul3A = arith.constant 1 : i32
      %mul3A_20 = arith.muli %scan3A_19, %mul3A : i32
      %add3A = arith.constant 0 : i32
      %add3A_21 = arith.addi %add3A, %mul3A_20 : i32
      %mul3A_22 = arith.constant 32 : i32
      %mul3A_23 = arith.muli %arg0, %mul3A_22 : i32
      %add3A_24 = arith.addi %mul3A_23, %add3A_21 : i32
      %eq3A = arith.constant 0 : i32
      %eq3A_25 = arith.cmpi eq, %arg1, %eq3A : i32
      %convert_element_type3A = arith.extui %eq3A_25 : i1 to i32
      %cond3A = arith.constant 0 : i32
      %cond3A_26 = arith.cmpi ne, %convert_element_type3A, %cond3A : i32
      scf.if %cond3A_26 {
        "tpu.region"() ({
          %run_scoped3A = tpu.sem_alloc : memref<!tpu.dma_semaphore, #tpu.memory_space<semaphore_mem>>
          %dma_start3A = arith.constant 0 : i32
          %dma_start3A_37 = tpu.memref_slice %arg2[%add3A_24, %dma_start3A] : memref<64x1000000xf32, #tpu.memory_space<hbm>> -> memref<1x1000000xf32, #tpu.memory_space<hbm>>
          %dma_start3A_38 = tpu.memref_squeeze %dma_start3A_37 : memref<1x1000000xf32, #tpu.memory_space<hbm>> -> memref<1000000xf32, #tpu.memory_space<hbm>>
          tpu.enqueue_dma source(%dma_start3A_38 : memref<1000000xf32, #tpu.memory_space<hbm>>) target(%arg5 : memref<1000000xf32, #tpu.memory_space<vmem_shared>>) target_semaphore(%run_scoped3A : memref<!tpu.dma_semaphore, #tpu.memory_space<semaphore_mem>>)
          %dma_wait3A = arith.constant 0 : i32
          %dma_wait3A_39 = tpu.memref_slice %arg2[%add3A_24, %dma_wait3A] : memref<64x1000000xf32, #tpu.memory_space<hbm>> -> memref<1x1000000xf32, #tpu.memory_space<hbm>>
          %dma_wait3A_40 = tpu.memref_squeeze %dma_wait3A_39 : memref<1x1000000xf32, #tpu.memory_space<hbm>> -> memref<1000000xf32, #tpu.memory_space<hbm>>
          tpu.wait_dma2 semaphore(%run_scoped3A : memref<!tpu.dma_semaphore, #tpu.memory_space<semaphore_mem>>) src(%dma_wait3A_40 : memref<1000000xf32, #tpu.memory_space<hbm>>) dst(%arg5 : memref<1000000xf32, #tpu.memory_space<vmem_shared>>)
          tpu.yield
        }) : () -> ()
      } else {
      }
      %scan3A_27 = arith.constant 0 : i32
      %scan3A_28 = arith.constant 25 : i32
      %scan3A_29 = arith.addi %scan3A_27, %scan3A_28 : i32
      %scan3A_30 = arith.constant 1 : i32
      scf.for %scan3A_37 = %scan3A_27 to %scan3A_29 step %scan3A_30  : i32 {
        %mul3A_38 = arith.constant 1 : i32
        %mul3A_39 = arith.muli %scan3A_37, %mul3A_38 : i32
        %add3A_40 = arith.constant 0 : i32
        %add3A_41 = arith.addi %add3A_40, %mul3A_39 : i32
        %mul3A_42 = arith.constant 25 : i32
        %mul3A_43 = arith.muli %add3A_21, %mul3A_42 : i32
        %add3A_44 = arith.addi %mul3A_43, %add3A_41 : i32
        %ge3A = arith.constant 3 : i32
        %ge3A_45 = arith.cmpi sge, %add3A_44, %ge3A : i32
        %convert_element_type3A_46 = arith.extui %ge3A_45 : i1 to i32
        %cond3A_47 = arith.constant 0 : i32
        %cond3A_48 = arith.cmpi ne, %convert_element_type3A_46, %cond3A_47 : i32
        scf.if %cond3A_48 {
          %sub3A = arith.constant 3 : i32
          %sub3A_89 = arith.subi %add3A_44, %sub3A : i32
          %jit3A_90 = arith.constant 3 : i32
          %eq3A_91 = arith.constant 0 : i32
          %eq3A_92 = arith.cmpi eq, %jit3A_90, %eq3A_91 : i32
          %jit3A_93 = arith.constant 1 : i32
          %select_n3A_94 = arith.select %eq3A_92, %jit3A_93, %jit3A_90 : i32
          %rem3A_95 = arith.remsi %sub3A_89, %select_n3A_94 : i32
          %ne3A_96 = arith.constant 0 : i32
          %ne3A_97 = arith.cmpi ne, %rem3A_95, %ne3A_96 : i32
          %lt3A_98 = arith.constant 0 : i32
          %lt3A_99 = arith.cmpi slt, %rem3A_95, %lt3A_98 : i32
          %lt3A_100 = arith.constant 0 : i32
          %lt3A_101 = arith.cmpi slt, %select_n3A_94, %lt3A_100 : i32
          %ne3A_102 = arith.xori %lt3A_99, %lt3A_101 : i1
          %and3A_103 = arith.andi %ne3A_102, %ne3A_97 : i1
          %add3A_104 = arith.addi %rem3A_95, %select_n3A_94 : i32
          %select_n3A_105 = arith.select %and3A_103, %add3A_104, %rem3A_95 : i32
          %mul3A_106 = arith.constant 2048 : i32
          %mul3A_107 = arith.muli %select_n3A_105, %mul3A_106 : i32
          %mul3A_108 = arith.constant 32 : i32
          %mul3A_109 = arith.muli %arg0, %mul3A_108 : i32
          %jit3A_110 = arith.constant 25 : i32
          %div3A = arith.divsi %sub3A_89, %jit3A_110 : i32
          %sign3A = arith.constant 0 : i32
          %sign3A_111 = arith.cmpi sgt, %sub3A_89, %sign3A : i32
          %sign3A_112 = arith.extui %sign3A_111 : i1 to i32
          %sign3A_113 = arith.constant 0 : i32
          %sign3A_114 = arith.cmpi slt, %sub3A_89, %sign3A_113 : i32
          %sign3A_115 = arith.extui %sign3A_114 : i1 to i32
          %sign3A_116 = arith.subi %sign3A_112, %sign3A_115 : i32
          %sign3A_117 = arith.constant 0 : i32
          %sign3A_118 = arith.cmpi sgt, %jit3A_110, %sign3A_117 : i32
          %sign3A_119 = arith.extui %sign3A_118 : i1 to i32
          %sign3A_120 = arith.constant 0 : i32
          %sign3A_121 = arith.cmpi slt, %jit3A_110, %sign3A_120 : i32
          %sign3A_122 = arith.extui %sign3A_121 : i1 to i32
          %sign3A_123 = arith.subi %sign3A_119, %sign3A_122 : i32
          %ne3A_124 = arith.cmpi ne, %sign3A_116, %sign3A_123 : i32
          %rem3A_125 = arith.remsi %sub3A_89, %jit3A_110 : i32
          %ne3A_126 = arith.constant 0 : i32
          %ne3A_127 = arith.cmpi ne, %rem3A_125, %ne3A_126 : i32
          %and3A_128 = arith.andi %ne3A_124, %ne3A_127 : i1
          %sub3A_129 = arith.constant 1 : i32
          %sub3A_130 = arith.subi %div3A, %sub3A_129 : i32
          %select_n3A_131 = arith.select %and3A_128, %sub3A_130, %div3A : i32
          %add3A_132 = arith.addi %mul3A_109, %select_n3A_131 : i32
          %jit3A_133 = arith.constant 25 : i32
          %eq3A_134 = arith.constant 0 : i32
          %eq3A_135 = arith.cmpi eq, %jit3A_133, %eq3A_134 : i32
          %jit3A_136 = arith.constant 1 : i32
          %select_n3A_137 = arith.select %eq3A_135, %jit3A_136, %jit3A_133 : i32
          %rem3A_138 = arith.remsi %sub3A_89, %select_n3A_137 : i32
          %ne3A_139 = arith.constant 0 : i32
          %ne3A_140 = arith.cmpi ne, %rem3A_138, %ne3A_139 : i32
          %lt3A_141 = arith.constant 0 : i32
          %lt3A_142 = arith.cmpi slt, %rem3A_138, %lt3A_141 : i32
          %lt3A_143 = arith.constant 0 : i32
          %lt3A_144 = arith.cmpi slt, %select_n3A_137, %lt3A_143 : i32
          %ne3A_145 = arith.xori %lt3A_142, %lt3A_144 : i1
          %and3A_146 = arith.andi %ne3A_145, %ne3A_140 : i1
          %add3A_147 = arith.addi %rem3A_138, %select_n3A_137 : i32
          %select_n3A_148 = arith.select %and3A_146, %add3A_147, %rem3A_138 : i32
          %mul3A_149 = arith.constant 16 : i32
          %mul3A_150 = arith.muli %select_n3A_148, %mul3A_149 : i32
          %add3A_151 = arith.addi %mul3A_150, %arg1 : i32
          %jit3A_152 = arith.constant 2 : i32
          %div3A_153 = arith.divsi %add3A_151, %jit3A_152 : i32
          %sign3A_154 = arith.constant 0 : i32
          %sign3A_155 = arith.cmpi sgt, %add3A_151, %sign3A_154 : i32
          %sign3A_156 = arith.extui %sign3A_155 : i1 to i32
          %sign3A_157 = arith.constant 0 : i32
          %sign3A_158 = arith.cmpi slt, %add3A_151, %sign3A_157 : i32
          %sign3A_159 = arith.extui %sign3A_158 : i1 to i32
          %sign3A_160 = arith.subi %sign3A_156, %sign3A_159 : i32
          %sign3A_161 = arith.constant 0 : i32
          %sign3A_162 = arith.cmpi sgt, %jit3A_152, %sign3A_161 : i32
          %sign3A_163 = arith.extui %sign3A_162 : i1 to i32
          %sign3A_164 = arith.constant 0 : i32
          %sign3A_165 = arith.cmpi slt, %jit3A_152, %sign3A_164 : i32
          %sign3A_166 = arith.extui %sign3A_165 : i1 to i32
          %sign3A_167 = arith.subi %sign3A_163, %sign3A_166 : i32
          %ne3A_168 = arith.cmpi ne, %sign3A_160, %sign3A_167 : i32
          %rem3A_169 = arith.remsi %add3A_151, %jit3A_152 : i32
          %ne3A_170 = arith.constant 0 : i32
          %ne3A_171 = arith.cmpi ne, %rem3A_169, %ne3A_170 : i32
          %and3A_172 = arith.andi %ne3A_168, %ne3A_171 : i1
          %sub3A_173 = arith.constant 1 : i32
          %sub3A_174 = arith.subi %div3A_153, %sub3A_173 : i32
          %select_n3A_175 = arith.select %and3A_172, %sub3A_174, %div3A_153 : i32
          %jit3A_176 = arith.constant 2 : i32
          %eq3A_177 = arith.constant 0 : i32
          %eq3A_178 = arith.cmpi eq, %jit3A_176, %eq3A_177 : i32
          %jit3A_179 = arith.constant 1 : i32
          %select_n3A_180 = arith.select %eq3A_178, %jit3A_179, %jit3A_176 : i32
          %rem3A_181 = arith.remsi %add3A_151, %select_n3A_180 : i32
          %ne3A_182 = arith.constant 0 : i32
          %ne3A_183 = arith.cmpi ne, %rem3A_181, %ne3A_182 : i32
          %lt3A_184 = arith.constant 0 : i32
          %lt3A_185 = arith.cmpi slt, %rem3A_181, %lt3A_184 : i32
          %lt3A_186 = arith.constant 0 : i32
          %lt3A_187 = arith.cmpi slt, %select_n3A_180, %lt3A_186 : i32
          %ne3A_188 = arith.xori %lt3A_185, %lt3A_187 : i1
          %and3A_189 = arith.andi %ne3A_188, %ne3A_183 : i1
          %add3A_190 = arith.addi %rem3A_181, %select_n3A_180 : i32
          %select_n3A_191 = arith.select %and3A_189, %add3A_190, %rem3A_181 : i32
          %mul3A_192 = arith.constant 2048 : i32
          %mul3A_193 = arith.muli %select_n3A_191, %mul3A_192 : i32
          %jit3A_194 = arith.constant 3 : i32
          %eq3A_195 = arith.constant 0 : i32
          %eq3A_196 = arith.cmpi eq, %jit3A_194, %eq3A_195 : i32
          %jit3A_197 = arith.constant 1 : i32
          %select_n3A_198 = arith.select %eq3A_196, %jit3A_197, %jit3A_194 : i32
          %rem3A_199 = arith.remsi %sub3A_89, %select_n3A_198 : i32
          %ne3A_200 = arith.constant 0 : i32
          %ne3A_201 = arith.cmpi ne, %rem3A_199, %ne3A_200 : i32
          %lt3A_202 = arith.constant 0 : i32
          %lt3A_203 = arith.cmpi slt, %rem3A_199, %lt3A_202 : i32
          %lt3A_204 = arith.constant 0 : i32
          %lt3A_205 = arith.cmpi slt, %select_n3A_198, %lt3A_204 : i32
          %ne3A_206 = arith.xori %lt3A_203, %lt3A_205 : i1
          %and3A_207 = arith.andi %ne3A_206, %ne3A_201 : i1
          %add3A_208 = arith.addi %rem3A_199, %select_n3A_198 : i32
          %select_n3A_209 = arith.select %and3A_207, %add3A_208, %rem3A_199 : i32
          %dma_wait3A = tpu.memref_slice %arg7[%mul3A_107] : memref<6144xf32, #tpu.memory_space<vmem>> -> memref<2048xf32, #tpu.memory_space<vmem>>
          %dma_wait3A_210 = tpu.memref_slice %arg4[%select_n3A_175, %add3A_132, %mul3A_193] : memref<200x64x4096xf32, #tpu.memory_space<hbm>> -> memref<1x1x2048xf32, #tpu.memory_space<hbm>>
          %dma_wait3A_211 = tpu.memref_squeeze %dma_wait3A_210 : memref<1x1x2048xf32, #tpu.memory_space<hbm>> -> memref<2048xf32, #tpu.memory_space<hbm>>
          %dma_wait3A_212 = tpu.memref_slice %arg9[%select_n3A_209] : memref<3x!tpu.dma_semaphore, #tpu.memory_space<semaphore_mem>> -> memref<1x!tpu.dma_semaphore, #tpu.memory_space<semaphore_mem>>
          %dma_wait3A_213 = tpu.memref_squeeze %dma_wait3A_212 : memref<1x!tpu.dma_semaphore, #tpu.memory_space<semaphore_mem>> -> memref<!tpu.dma_semaphore, #tpu.memory_space<semaphore_mem>>
          %dma_wait3A_214 = tpu.memref_slice %arg4[%select_n3A_175, %add3A_132, %mul3A_193] : memref<200x64x4096xf32, #tpu.memory_space<hbm>> -> memref<1x1x2048xf32, #tpu.memory_space<hbm>>
          %dma_wait3A_215 = tpu.memref_squeeze %dma_wait3A_214 : memref<1x1x2048xf32, #tpu.memory_space<hbm>> -> memref<2048xf32, #tpu.memory_space<hbm>>
          %dma_wait3A_216 = tpu.memref_slice %arg7[%mul3A_107] : memref<6144xf32, #tpu.memory_space<vmem>> -> memref<2048xf32, #tpu.memory_space<vmem>>
          tpu.wait_dma2 semaphore(%dma_wait3A_213 : memref<!tpu.dma_semaphore, #tpu.memory_space<semaphore_mem>>) src(%dma_wait3A_216 : memref<2048xf32, #tpu.memory_space<vmem>>) dst(%dma_wait3A_215 : memref<2048xf32, #tpu.memory_space<hbm>>)
        } else {
        }
        %mul3A_49 = arith.constant 2048 : i32
        %mul3A_50 = arith.muli %add3A_41, %mul3A_49 : i32
        %jit3A = arith.constant 3 : i32
        %eq3A_51 = arith.constant 0 : i32
        %eq3A_52 = arith.cmpi eq, %jit3A, %eq3A_51 : i32
        %jit3A_53 = arith.constant 1 : i32
        %select_n3A = arith.select %eq3A_52, %jit3A_53, %jit3A : i32
        %rem3A = arith.remsi %add3A_44, %select_n3A : i32
        %ne3A = arith.constant 0 : i32
        %ne3A_54 = arith.cmpi ne, %rem3A, %ne3A : i32
        %lt3A = arith.constant 0 : i32
        %lt3A_55 = arith.cmpi slt, %rem3A, %lt3A : i32
        %lt3A_56 = arith.constant 0 : i32
        %lt3A_57 = arith.cmpi slt, %select_n3A, %lt3A_56 : i32
        %ne3A_58 = arith.xori %lt3A_55, %lt3A_57 : i1
        %and3A = arith.andi %ne3A_58, %ne3A_54 : i1
        %add3A_59 = arith.addi %rem3A, %select_n3A : i32
        %select_n3A_60 = arith.select %and3A, %add3A_59, %rem3A : i32
        %mul3A_61 = arith.constant 2048 : i32
        %mul3A_62 = arith.muli %select_n3A_60, %mul3A_61 : i32
        %jit3A_63 = arith.constant 3 : i32
        %eq3A_64 = arith.constant 0 : i32
        %eq3A_65 = arith.cmpi eq, %jit3A_63, %eq3A_64 : i32
        %jit3A_66 = arith.constant 1 : i32
        %select_n3A_67 = arith.select %eq3A_65, %jit3A_66, %jit3A_63 : i32
        %rem3A_68 = arith.remsi %add3A_41, %select_n3A_67 : i32
        %ne3A_69 = arith.constant 0 : i32
        %ne3A_70 = arith.cmpi ne, %rem3A_68, %ne3A_69 : i32
        %lt3A_71 = arith.constant 0 : i32
        %lt3A_72 = arith.cmpi slt, %rem3A_68, %lt3A_71 : i32
        %lt3A_73 = arith.constant 0 : i32
        %lt3A_74 = arith.cmpi slt, %select_n3A_67, %lt3A_73 : i32
        %ne3A_75 = arith.xori %lt3A_72, %lt3A_74 : i1
        %and3A_76 = arith.andi %ne3A_75, %ne3A_70 : i1
        %add3A_77 = arith.addi %rem3A_68, %select_n3A_67 : i32
        %select_n3A_78 = arith.select %and3A_76, %add3A_77, %rem3A_68 : i32
        %dma_start3A = tpu.memref_slice %arg7[%mul3A_62] : memref<6144xf32, #tpu.memory_space<vmem>> -> memref<2048xf32, #tpu.memory_space<vmem>>
        %dma_start3A_79 = tpu.memref_slice %arg6[%mul3A_50] : memref<51200xi32, #tpu.memory_space<vmem>> -> memref<2048xi32, #tpu.memory_space<vmem>>
        %dma_start3A_80 = arith.constant 0 : i32
        %dma_start3A_81 = tpu.memref_slice %arg5[%dma_start3A_80] : memref<1000000xf32, #tpu.memory_space<vmem_shared>> -> memref<1000000xf32, #tpu.memory_space<vmem_shared>>
        %dma_start3A_82 = tpu.memref_slice %arg8[%select_n3A_78] : memref<3x!tpu.dma_semaphore, #tpu.memory_space<semaphore_mem>> -> memref<1x!tpu.dma_semaphore, #tpu.memory_space<semaphore_mem>>
        %dma_start3A_83 = tpu.memref_squeeze %dma_start3A_82 : memref<1x!tpu.dma_semaphore, #tpu.memory_space<semaphore_mem>> -> memref<!tpu.dma_semaphore, #tpu.memory_space<semaphore_mem>>
        tpu.enqueue_indirect_dma source(%dma_start3A_81 : memref<1000000xf32, #tpu.memory_space<vmem_shared>>) target(%dma_start3A : memref<2048xf32, #tpu.memory_space<vmem>>) offsets(%dma_start3A_79 : memref<2048xi32, #tpu.memory_space<vmem>>) semaphore(%dma_start3A_83 : memref<!tpu.dma_semaphore, #tpu.memory_space<semaphore_mem>>)
        %ge3A_84 = arith.constant 2 : i32
        %ge3A_85 = arith.cmpi sge, %add3A_41, %ge3A_84 : i32
        %convert_element_type3A_86 = arith.extui %ge3A_85 : i1 to i32
        %cond3A_87 = arith.constant 0 : i32
        %cond3A_88 = arith.cmpi ne, %convert_element_type3A_86, %cond3A_87 : i32
        scf.if %cond3A_88 {
          %sub3A = arith.constant 2 : i32
          %sub3A_89 = arith.subi %add3A_41, %sub3A : i32
          %mul3A_90 = arith.constant 2048 : i32
          %mul3A_91 = arith.muli %sub3A_89, %mul3A_90 : i32
          %sub3A_92 = arith.constant 2 : i32
          %sub3A_93 = arith.subi %add3A_44, %sub3A_92 : i32
          %jit3A_94 = arith.constant 3 : i32
          %eq3A_95 = arith.constant 0 : i32
          %eq3A_96 = arith.cmpi eq, %jit3A_94, %eq3A_95 : i32
          %jit3A_97 = arith.constant 1 : i32
          %select_n3A_98 = arith.select %eq3A_96, %jit3A_97, %jit3A_94 : i32
          %rem3A_99 = arith.remsi %sub3A_93, %select_n3A_98 : i32
          %ne3A_100 = arith.constant 0 : i32
          %ne3A_101 = arith.cmpi ne, %rem3A_99, %ne3A_100 : i32
          %lt3A_102 = arith.constant 0 : i32
          %lt3A_103 = arith.cmpi slt, %rem3A_99, %lt3A_102 : i32
          %lt3A_104 = arith.constant 0 : i32
          %lt3A_105 = arith.cmpi slt, %select_n3A_98, %lt3A_104 : i32
          %ne3A_106 = arith.xori %lt3A_103, %lt3A_105 : i1
          %and3A_107 = arith.andi %ne3A_106, %ne3A_101 : i1
          %add3A_108 = arith.addi %rem3A_99, %select_n3A_98 : i32
          %select_n3A_109 = arith.select %and3A_107, %add3A_108, %rem3A_99 : i32
          %mul3A_110 = arith.constant 2048 : i32
          %mul3A_111 = arith.muli %select_n3A_109, %mul3A_110 : i32
          %sub3A_112 = arith.constant 2 : i32
          %sub3A_113 = arith.subi %add3A_41, %sub3A_112 : i32
          %jit3A_114 = arith.constant 3 : i32
          %eq3A_115 = arith.constant 0 : i32
          %eq3A_116 = arith.cmpi eq, %jit3A_114, %eq3A_115 : i32
          %jit3A_117 = arith.constant 1 : i32
          %select_n3A_118 = arith.select %eq3A_116, %jit3A_117, %jit3A_114 : i32
          %rem3A_119 = arith.remsi %sub3A_113, %select_n3A_118 : i32
          %ne3A_120 = arith.constant 0 : i32
          %ne3A_121 = arith.cmpi ne, %rem3A_119, %ne3A_120 : i32
          %lt3A_122 = arith.constant 0 : i32
          %lt3A_123 = arith.cmpi slt, %rem3A_119, %lt3A_122 : i32
          %lt3A_124 = arith.constant 0 : i32
          %lt3A_125 = arith.cmpi slt, %select_n3A_118, %lt3A_124 : i32
          %ne3A_126 = arith.xori %lt3A_123, %lt3A_125 : i1
          %and3A_127 = arith.andi %ne3A_126, %ne3A_121 : i1
          %add3A_128 = arith.addi %rem3A_119, %select_n3A_118 : i32
          %select_n3A_129 = arith.select %and3A_127, %add3A_128, %rem3A_119 : i32
          %dma_wait3A = tpu.memref_slice %arg7[%mul3A_111] : memref<6144xf32, #tpu.memory_space<vmem>> -> memref<2048xf32, #tpu.memory_space<vmem>>
          %dma_wait3A_130 = tpu.memref_slice %arg6[%mul3A_91] : memref<51200xi32, #tpu.memory_space<vmem>> -> memref<2048xi32, #tpu.memory_space<vmem>>
          %dma_wait3A_131 = arith.constant 0 : i32
          %dma_wait3A_132 = tpu.memref_slice %arg5[%dma_wait3A_131] : memref<1000000xf32, #tpu.memory_space<vmem_shared>> -> memref<1000000xf32, #tpu.memory_space<vmem_shared>>
          %dma_wait3A_133 = tpu.memref_slice %arg8[%select_n3A_129] : memref<3x!tpu.dma_semaphore, #tpu.memory_space<semaphore_mem>> -> memref<1x!tpu.dma_semaphore, #tpu.memory_space<semaphore_mem>>
          %dma_wait3A_134 = tpu.memref_squeeze %dma_wait3A_133 : memref<1x!tpu.dma_semaphore, #tpu.memory_space<semaphore_mem>> -> memref<!tpu.dma_semaphore, #tpu.memory_space<semaphore_mem>>
          tpu.wait_indirect_dma semaphore(%dma_wait3A_134 : memref<!tpu.dma_semaphore, #tpu.memory_space<semaphore_mem>>) src(%dma_wait3A_132 : memref<1000000xf32, #tpu.memory_space<vmem_shared>>) dst(%dma_wait3A : memref<2048xf32, #tpu.memory_space<vmem>>)
          %sub3A_135 = arith.constant 2 : i32
          %sub3A_136 = arith.subi %add3A_44, %sub3A_135 : i32
          %jit3A_137 = arith.constant 3 : i32
          %eq3A_138 = arith.constant 0 : i32
          %eq3A_139 = arith.cmpi eq, %jit3A_137, %eq3A_138 : i32
          %jit3A_140 = arith.constant 1 : i32
          %select_n3A_141 = arith.select %eq3A_139, %jit3A_140, %jit3A_137 : i32
          %rem3A_142 = arith.remsi %sub3A_136, %select_n3A_141 : i32
          %ne3A_143 = arith.constant 0 : i32
          %ne3A_144 = arith.cmpi ne, %rem3A_142, %ne3A_143 : i32
          %lt3A_145 = arith.constant 0 : i32
          %lt3A_146 = arith.cmpi slt, %rem3A_142, %lt3A_145 : i32
          %lt3A_147 = arith.constant 0 : i32
          %lt3A_148 = arith.cmpi slt, %select_n3A_141, %lt3A_147 : i32
          %ne3A_149 = arith.xori %lt3A_146, %lt3A_148 : i1
          %and3A_150 = arith.andi %ne3A_149, %ne3A_144 : i1
          %add3A_151 = arith.addi %rem3A_142, %select_n3A_141 : i32
          %select_n3A_152 = arith.select %and3A_150, %add3A_151, %rem3A_142 : i32
          %mul3A_153 = arith.constant 2048 : i32
          %mul3A_154 = arith.muli %select_n3A_152, %mul3A_153 : i32
          %sub3A_155 = arith.constant 2 : i32
          %sub3A_156 = arith.subi %add3A_44, %sub3A_155 : i32
          %jit3A_157 = arith.constant 25 : i32
          %eq3A_158 = arith.constant 0 : i32
          %eq3A_159 = arith.cmpi eq, %jit3A_157, %eq3A_158 : i32
          %jit3A_160 = arith.constant 1 : i32
          %select_n3A_161 = arith.select %eq3A_159, %jit3A_160, %jit3A_157 : i32
          %rem3A_162 = arith.remsi %sub3A_156, %select_n3A_161 : i32
          %ne3A_163 = arith.constant 0 : i32
          %ne3A_164 = arith.cmpi ne, %rem3A_162, %ne3A_163 : i32
          %lt3A_165 = arith.constant 0 : i32
          %lt3A_166 = arith.cmpi slt, %rem3A_162, %lt3A_165 : i32
          %lt3A_167 = arith.constant 0 : i32
          %lt3A_168 = arith.cmpi slt, %select_n3A_161, %lt3A_167 : i32
          %ne3A_169 = arith.xori %lt3A_166, %lt3A_168 : i1
          %and3A_170 = arith.andi %ne3A_169, %ne3A_164 : i1
          %add3A_171 = arith.addi %rem3A_162, %select_n3A_161 : i32
          %select_n3A_172 = arith.select %and3A_170, %add3A_171, %rem3A_162 : i32
          %mul3A_173 = arith.constant 16 : i32
          %mul3A_174 = arith.muli %select_n3A_172, %mul3A_173 : i32
          %add3A_175 = arith.addi %mul3A_174, %arg1 : i32
          %jit3A_176 = arith.constant 2 : i32
          %div3A = arith.divsi %add3A_175, %jit3A_176 : i32
          %sign3A = arith.constant 0 : i32
          %sign3A_177 = arith.cmpi sgt, %add3A_175, %sign3A : i32
          %sign3A_178 = arith.extui %sign3A_177 : i1 to i32
          %sign3A_179 = arith.constant 0 : i32
          %sign3A_180 = arith.cmpi slt, %add3A_175, %sign3A_179 : i32
          %sign3A_181 = arith.extui %sign3A_180 : i1 to i32
          %sign3A_182 = arith.subi %sign3A_178, %sign3A_181 : i32
          %sign3A_183 = arith.constant 0 : i32
          %sign3A_184 = arith.cmpi sgt, %jit3A_176, %sign3A_183 : i32
          %sign3A_185 = arith.extui %sign3A_184 : i1 to i32
          %sign3A_186 = arith.constant 0 : i32
          %sign3A_187 = arith.cmpi slt, %jit3A_176, %sign3A_186 : i32
          %sign3A_188 = arith.extui %sign3A_187 : i1 to i32
          %sign3A_189 = arith.subi %sign3A_185, %sign3A_188 : i32
          %ne3A_190 = arith.cmpi ne, %sign3A_182, %sign3A_189 : i32
          %rem3A_191 = arith.remsi %add3A_175, %jit3A_176 : i32
          %ne3A_192 = arith.constant 0 : i32
          %ne3A_193 = arith.cmpi ne, %rem3A_191, %ne3A_192 : i32
          %and3A_194 = arith.andi %ne3A_190, %ne3A_193 : i1
          %sub3A_195 = arith.constant 1 : i32
          %sub3A_196 = arith.subi %div3A, %sub3A_195 : i32
          %select_n3A_197 = arith.select %and3A_194, %sub3A_196, %div3A : i32
          %jit3A_198 = arith.constant 2 : i32
          %eq3A_199 = arith.constant 0 : i32
          %eq3A_200 = arith.cmpi eq, %jit3A_198, %eq3A_199 : i32
          %jit3A_201 = arith.constant 1 : i32
          %select_n3A_202 = arith.select %eq3A_200, %jit3A_201, %jit3A_198 : i32
          %rem3A_203 = arith.remsi %add3A_175, %select_n3A_202 : i32
          %ne3A_204 = arith.constant 0 : i32
          %ne3A_205 = arith.cmpi ne, %rem3A_203, %ne3A_204 : i32
          %lt3A_206 = arith.constant 0 : i32
          %lt3A_207 = arith.cmpi slt, %rem3A_203, %lt3A_206 : i32
          %lt3A_208 = arith.constant 0 : i32
          %lt3A_209 = arith.cmpi slt, %select_n3A_202, %lt3A_208 : i32
          %ne3A_210 = arith.xori %lt3A_207, %lt3A_209 : i1
          %and3A_211 = arith.andi %ne3A_210, %ne3A_205 : i1
          %add3A_212 = arith.addi %rem3A_203, %select_n3A_202 : i32
          %select_n3A_213 = arith.select %and3A_211, %add3A_212, %rem3A_203 : i32
          %mul3A_214 = arith.constant 2048 : i32
          %mul3A_215 = arith.muli %select_n3A_213, %mul3A_214 : i32
          %sub3A_216 = arith.constant 2 : i32
          %sub3A_217 = arith.subi %add3A_44, %sub3A_216 : i32
          %jit3A_218 = arith.constant 3 : i32
          %eq3A_219 = arith.constant 0 : i32
          %eq3A_220 = arith.cmpi eq, %jit3A_218, %eq3A_219 : i32
          %jit3A_221 = arith.constant 1 : i32
          %select_n3A_222 = arith.select %eq3A_220, %jit3A_221, %jit3A_218 : i32
          %rem3A_223 = arith.remsi %sub3A_217, %select_n3A_222 : i32
          %ne3A_224 = arith.constant 0 : i32
          %ne3A_225 = arith.cmpi ne, %rem3A_223, %ne3A_224 : i32
          %lt3A_226 = arith.constant 0 : i32
          %lt3A_227 = arith.cmpi slt, %rem3A_223, %lt3A_226 : i32
          %lt3A_228 = arith.constant 0 : i32
          %lt3A_229 = arith.cmpi slt, %select_n3A_222, %lt3A_228 : i32
          %ne3A_230 = arith.xori %lt3A_227, %lt3A_229 : i1
          %and3A_231 = arith.andi %ne3A_230, %ne3A_225 : i1
          %add3A_232 = arith.addi %rem3A_223, %select_n3A_222 : i32
          %select_n3A_233 = arith.select %and3A_231, %add3A_232, %rem3A_223 : i32
          %dma_start3A_234 = tpu.memref_slice %arg7[%mul3A_154] : memref<6144xf32, #tpu.memory_space<vmem>> -> memref<2048xf32, #tpu.memory_space<vmem>>
          %dma_start3A_235 = tpu.memref_slice %arg4[%select_n3A_197, %add3A_24, %mul3A_215] : memref<200x64x4096xf32, #tpu.memory_space<hbm>> -> memref<1x1x2048xf32, #tpu.memory_space<hbm>>
          %dma_start3A_236 = tpu.memref_squeeze %dma_start3A_235 : memref<1x1x2048xf32, #tpu.memory_space<hbm>> -> memref<2048xf32, #tpu.memory_space<hbm>>
          %dma_start3A_237 = tpu.memref_slice %arg9[%select_n3A_233] : memref<3x!tpu.dma_semaphore, #tpu.memory_space<semaphore_mem>> -> memref<1x!tpu.dma_semaphore, #tpu.memory_space<semaphore_mem>>
          %dma_start3A_238 = tpu.memref_squeeze %dma_start3A_237 : memref<1x!tpu.dma_semaphore, #tpu.memory_space<semaphore_mem>> -> memref<!tpu.dma_semaphore, #tpu.memory_space<semaphore_mem>>
          %dma_start3A_239 = tpu.memref_slice %arg4[%select_n3A_197, %add3A_24, %mul3A_215] : memref<200x64x4096xf32, #tpu.memory_space<hbm>> -> memref<1x1x2048xf32, #tpu.memory_space<hbm>>
          %dma_start3A_240 = tpu.memref_squeeze %dma_start3A_239 : memref<1x1x2048xf32, #tpu.memory_space<hbm>> -> memref<2048xf32, #tpu.memory_space<hbm>>
          %dma_start3A_241 = tpu.memref_slice %arg7[%mul3A_154] : memref<6144xf32, #tpu.memory_space<vmem>> -> memref<2048xf32, #tpu.memory_space<vmem>>
          tpu.enqueue_dma source(%dma_start3A_241 : memref<2048xf32, #tpu.memory_space<vmem>>) target(%dma_start3A_240 : memref<2048xf32, #tpu.memory_space<hbm>>) target_semaphore(%dma_start3A_238 : memref<!tpu.dma_semaphore, #tpu.memory_space<semaphore_mem>>)
        } else {
        }
      }
      %scan3A_31 = arith.constant 25 : i32
      %scan3A_32 = arith.constant 0 : i32
      %scan3A_33 = arith.constant 2 : i32
      %scan3A_34 = arith.addi %scan3A_32, %scan3A_33 : i32
      %scan3A_35 = arith.constant 1 : i32
      scf.for %scan3A_37 = %scan3A_32 to %scan3A_34 step %scan3A_35  : i32 {
        %mul3A_38 = arith.constant 1 : i32
        %mul3A_39 = arith.muli %scan3A_37, %mul3A_38 : i32
        %add3A_40 = arith.constant 23 : i32
        %add3A_41 = arith.addi %add3A_40, %mul3A_39 : i32
        %mul3A_42 = arith.constant 25 : i32
        %mul3A_43 = arith.muli %add3A_21, %mul3A_42 : i32
        %add3A_44 = arith.addi %mul3A_43, %add3A_41 : i32
        %mul3A_45 = arith.constant 2048 : i32
        %mul3A_46 = arith.muli %add3A_41, %mul3A_45 : i32
        %jit3A = arith.constant 3 : i32
        %eq3A_47 = arith.constant 0 : i32
        %eq3A_48 = arith.cmpi eq, %jit3A, %eq3A_47 : i32
        %jit3A_49 = arith.constant 1 : i32
        %select_n3A = arith.select %eq3A_48, %jit3A_49, %jit3A : i32
        %rem3A = arith.remsi %add3A_44, %select_n3A : i32
        %ne3A = arith.constant 0 : i32
        %ne3A_50 = arith.cmpi ne, %rem3A, %ne3A : i32
        %lt3A = arith.constant 0 : i32
        %lt3A_51 = arith.cmpi slt, %rem3A, %lt3A : i32
        %lt3A_52 = arith.constant 0 : i32
        %lt3A_53 = arith.cmpi slt, %select_n3A, %lt3A_52 : i32
        %ne3A_54 = arith.xori %lt3A_51, %lt3A_53 : i1
        %and3A = arith.andi %ne3A_54, %ne3A_50 : i1
        %add3A_55 = arith.addi %rem3A, %select_n3A : i32
        %select_n3A_56 = arith.select %and3A, %add3A_55, %rem3A : i32
        %mul3A_57 = arith.constant 2048 : i32
        %mul3A_58 = arith.muli %select_n3A_56, %mul3A_57 : i32
        %jit3A_59 = arith.constant 3 : i32
        %eq3A_60 = arith.constant 0 : i32
        %eq3A_61 = arith.cmpi eq, %jit3A_59, %eq3A_60 : i32
        %jit3A_62 = arith.constant 1 : i32
        %select_n3A_63 = arith.select %eq3A_61, %jit3A_62, %jit3A_59 : i32
        %rem3A_64 = arith.remsi %add3A_41, %select_n3A_63 : i32
        %ne3A_65 = arith.constant 0 : i32
        %ne3A_66 = arith.cmpi ne, %rem3A_64, %ne3A_65 : i32
        %lt3A_67 = arith.constant 0 : i32
        %lt3A_68 = arith.cmpi slt, %rem3A_64, %lt3A_67 : i32
        %lt3A_69 = arith.constant 0 : i32
        %lt3A_70 = arith.cmpi slt, %select_n3A_63, %lt3A_69 : i32
        %ne3A_71 = arith.xori %lt3A_68, %lt3A_70 : i1
        %and3A_72 = arith.andi %ne3A_71, %ne3A_66 : i1
        %add3A_73 = arith.addi %rem3A_64, %select_n3A_63 : i32
        %select_n3A_74 = arith.select %and3A_72, %add3A_73, %rem3A_64 : i32
        %dma_wait3A = tpu.memref_slice %arg7[%mul3A_58] : memref<6144xf32, #tpu.memory_space<vmem>> -> memref<2048xf32, #tpu.memory_space<vmem>>
        %dma_wait3A_75 = tpu.memref_slice %arg6[%mul3A_46] : memref<51200xi32, #tpu.memory_space<vmem>> -> memref<2048xi32, #tpu.memory_space<vmem>>
        %dma_wait3A_76 = arith.constant 0 : i32
        %dma_wait3A_77 = tpu.memref_slice %arg5[%dma_wait3A_76] : memref<1000000xf32, #tpu.memory_space<vmem_shared>> -> memref<1000000xf32, #tpu.memory_space<vmem_shared>>
        %dma_wait3A_78 = tpu.memref_slice %arg8[%select_n3A_74] : memref<3x!tpu.dma_semaphore, #tpu.memory_space<semaphore_mem>> -> memref<1x!tpu.dma_semaphore, #tpu.memory_space<semaphore_mem>>
        %dma_wait3A_79 = tpu.memref_squeeze %dma_wait3A_78 : memref<1x!tpu.dma_semaphore, #tpu.memory_space<semaphore_mem>> -> memref<!tpu.dma_semaphore, #tpu.memory_space<semaphore_mem>>
        tpu.wait_indirect_dma semaphore(%dma_wait3A_79 : memref<!tpu.dma_semaphore, #tpu.memory_space<semaphore_mem>>) src(%dma_wait3A_77 : memref<1000000xf32, #tpu.memory_space<vmem_shared>>) dst(%dma_wait3A : memref<2048xf32, #tpu.memory_space<vmem>>)
        %jit3A_80 = arith.constant 3 : i32
        %eq3A_81 = arith.constant 0 : i32
        %eq3A_82 = arith.cmpi eq, %jit3A_80, %eq3A_81 : i32
        %jit3A_83 = arith.constant 1 : i32
        %select_n3A_84 = arith.select %eq3A_82, %jit3A_83, %jit3A_80 : i32
        %rem3A_85 = arith.remsi %add3A_44, %select_n3A_84 : i32
        %ne3A_86 = arith.constant 0 : i32
        %ne3A_87 = arith.cmpi ne, %rem3A_85, %ne3A_86 : i32
        %lt3A_88 = arith.constant 0 : i32
        %lt3A_89 = arith.cmpi slt, %rem3A_85, %lt3A_88 : i32
        %lt3A_90 = arith.constant 0 : i32
        %lt3A_91 = arith.cmpi slt, %select_n3A_84, %lt3A_90 : i32
        %ne3A_92 = arith.xori %lt3A_89, %lt3A_91 : i1
        %and3A_93 = arith.andi %ne3A_92, %ne3A_87 : i1
        %add3A_94 = arith.addi %rem3A_85, %select_n3A_84 : i32
        %select_n3A_95 = arith.select %and3A_93, %add3A_94, %rem3A_85 : i32
        %mul3A_96 = arith.constant 2048 : i32
        %mul3A_97 = arith.muli %select_n3A_95, %mul3A_96 : i32
        %jit3A_98 = arith.constant 25 : i32
        %eq3A_99 = arith.constant 0 : i32
        %eq3A_100 = arith.cmpi eq, %jit3A_98, %eq3A_99 : i32
        %jit3A_101 = arith.constant 1 : i32
        %select_n3A_102 = arith.select %eq3A_100, %jit3A_101, %jit3A_98 : i32
        %rem3A_103 = arith.remsi %add3A_44, %select_n3A_102 : i32
        %ne3A_104 = arith.constant 0 : i32
        %ne3A_105 = arith.cmpi ne, %rem3A_103, %ne3A_104 : i32
        %lt3A_106 = arith.constant 0 : i32
        %lt3A_107 = arith.cmpi slt, %rem3A_103, %lt3A_106 : i32
        %lt3A_108 = arith.constant 0 : i32
        %lt3A_109 = arith.cmpi slt, %select_n3A_102, %lt3A_108 : i32
        %ne3A_110 = arith.xori %lt3A_107, %lt3A_109 : i1
        %and3A_111 = arith.andi %ne3A_110, %ne3A_105 : i1
        %add3A_112 = arith.addi %rem3A_103, %select_n3A_102 : i32
        %select_n3A_113 = arith.select %and3A_111, %add3A_112, %rem3A_103 : i32
        %mul3A_114 = arith.constant 16 : i32
        %mul3A_115 = arith.muli %select_n3A_113, %mul3A_114 : i32
        %add3A_116 = arith.addi %mul3A_115, %arg1 : i32
        %jit3A_117 = arith.constant 2 : i32
        %div3A = arith.divsi %add3A_116, %jit3A_117 : i32
        %sign3A = arith.constant 0 : i32
        %sign3A_118 = arith.cmpi sgt, %add3A_116, %sign3A : i32
        %sign3A_119 = arith.extui %sign3A_118 : i1 to i32
        %sign3A_120 = arith.constant 0 : i32
        %sign3A_121 = arith.cmpi slt, %add3A_116, %sign3A_120 : i32
        %sign3A_122 = arith.extui %sign3A_121 : i1 to i32
        %sign3A_123 = arith.subi %sign3A_119, %sign3A_122 : i32
        %sign3A_124 = arith.constant 0 : i32
        %sign3A_125 = arith.cmpi sgt, %jit3A_117, %sign3A_124 : i32
        %sign3A_126 = arith.extui %sign3A_125 : i1 to i32
        %sign3A_127 = arith.constant 0 : i32
        %sign3A_128 = arith.cmpi slt, %jit3A_117, %sign3A_127 : i32
        %sign3A_129 = arith.extui %sign3A_128 : i1 to i32
        %sign3A_130 = arith.subi %sign3A_126, %sign3A_129 : i32
        %ne3A_131 = arith.cmpi ne, %sign3A_123, %sign3A_130 : i32
        %rem3A_132 = arith.remsi %add3A_116, %jit3A_117 : i32
        %ne3A_133 = arith.constant 0 : i32
        %ne3A_134 = arith.cmpi ne, %rem3A_132, %ne3A_133 : i32
        %and3A_135 = arith.andi %ne3A_131, %ne3A_134 : i1
        %sub3A = arith.constant 1 : i32
        %sub3A_136 = arith.subi %div3A, %sub3A : i32
        %select_n3A_137 = arith.select %and3A_135, %sub3A_136, %div3A : i32
        %jit3A_138 = arith.constant 2 : i32
        %eq3A_139 = arith.constant 0 : i32
        %eq3A_140 = arith.cmpi eq, %jit3A_138, %eq3A_139 : i32
        %jit3A_141 = arith.constant 1 : i32
        %select_n3A_142 = arith.select %eq3A_140, %jit3A_141, %jit3A_138 : i32
        %rem3A_143 = arith.remsi %add3A_116, %select_n3A_142 : i32
        %ne3A_144 = arith.constant 0 : i32
        %ne3A_145 = arith.cmpi ne, %rem3A_143, %ne3A_144 : i32
        %lt3A_146 = arith.constant 0 : i32
        %lt3A_147 = arith.cmpi slt, %rem3A_143, %lt3A_146 : i32
        %lt3A_148 = arith.constant 0 : i32
        %lt3A_149 = arith.cmpi slt, %select_n3A_142, %lt3A_148 : i32
        %ne3A_150 = arith.xori %lt3A_147, %lt3A_149 : i1
        %and3A_151 = arith.andi %ne3A_150, %ne3A_145 : i1
        %add3A_152 = arith.addi %rem3A_143, %select_n3A_142 : i32
        %select_n3A_153 = arith.select %and3A_151, %add3A_152, %rem3A_143 : i32
        %mul3A_154 = arith.constant 2048 : i32
        %mul3A_155 = arith.muli %select_n3A_153, %mul3A_154 : i32
        %jit3A_156 = arith.constant 3 : i32
        %eq3A_157 = arith.constant 0 : i32
        %eq3A_158 = arith.cmpi eq, %jit3A_156, %eq3A_157 : i32
        %jit3A_159 = arith.constant 1 : i32
        %select_n3A_160 = arith.select %eq3A_158, %jit3A_159, %jit3A_156 : i32
        %rem3A_161 = arith.remsi %add3A_44, %select_n3A_160 : i32
        %ne3A_162 = arith.constant 0 : i32
        %ne3A_163 = arith.cmpi ne, %rem3A_161, %ne3A_162 : i32
        %lt3A_164 = arith.constant 0 : i32
        %lt3A_165 = arith.cmpi slt, %rem3A_161, %lt3A_164 : i32
        %lt3A_166 = arith.constant 0 : i32
        %lt3A_167 = arith.cmpi slt, %select_n3A_160, %lt3A_166 : i32
        %ne3A_168 = arith.xori %lt3A_165, %lt3A_167 : i1
        %and3A_169 = arith.andi %ne3A_168, %ne3A_163 : i1
        %add3A_170 = arith.addi %rem3A_161, %select_n3A_160 : i32
        %select_n3A_171 = arith.select %and3A_169, %add3A_170, %rem3A_161 : i32
        %dma_start3A = tpu.memref_slice %arg7[%mul3A_97] : memref<6144xf32, #tpu.memory_space<vmem>> -> memref<2048xf32, #tpu.memory_space<vmem>>
        %dma_start3A_172 = tpu.memref_slice %arg4[%select_n3A_137, %add3A_24, %mul3A_155] : memref<200x64x4096xf32, #tpu.memory_space<hbm>> -> memref<1x1x2048xf32, #tpu.memory_space<hbm>>
        %dma_start3A_173 = tpu.memref_squeeze %dma_start3A_172 : memref<1x1x2048xf32, #tpu.memory_space<hbm>> -> memref<2048xf32, #tpu.memory_space<hbm>>
        %dma_start3A_174 = tpu.memref_slice %arg9[%select_n3A_171] : memref<3x!tpu.dma_semaphore, #tpu.memory_space<semaphore_mem>> -> memref<1x!tpu.dma_semaphore, #tpu.memory_space<semaphore_mem>>
        %dma_start3A_175 = tpu.memref_squeeze %dma_start3A_174 : memref<1x!tpu.dma_semaphore, #tpu.memory_space<semaphore_mem>> -> memref<!tpu.dma_semaphore, #tpu.memory_space<semaphore_mem>>
        %dma_start3A_176 = tpu.memref_slice %arg4[%select_n3A_137, %add3A_24, %mul3A_155] : memref<200x64x4096xf32, #tpu.memory_space<hbm>> -> memref<1x1x2048xf32, #tpu.memory_space<hbm>>
        %dma_start3A_177 = tpu.memref_squeeze %dma_start3A_176 : memref<1x1x2048xf32, #tpu.memory_space<hbm>> -> memref<2048xf32, #tpu.memory_space<hbm>>
        %dma_start3A_178 = tpu.memref_slice %arg7[%mul3A_97] : memref<6144xf32, #tpu.memory_space<vmem>> -> memref<2048xf32, #tpu.memory_space<vmem>>
        tpu.enqueue_dma source(%dma_start3A_178 : memref<2048xf32, #tpu.memory_space<vmem>>) target(%dma_start3A_177 : memref<2048xf32, #tpu.memory_space<hbm>>) target_semaphore(%dma_start3A_175 : memref<!tpu.dma_semaphore, #tpu.memory_space<semaphore_mem>>)
      }
      %scan3A_36 = arith.constant 2 : i32
    }
    %scan3A_13 = arith.constant 32 : i32
    %scan3A_14 = arith.constant 0 : i32
    %scan3A_15 = arith.constant 3 : i32
    %scan3A_16 = arith.addi %scan3A_14, %scan3A_15 : i32
    %scan3A_17 = arith.constant 1 : i32
    scf.for %scan3A_19 = %scan3A_14 to %scan3A_16 step %scan3A_17  : i32 {
      %mul3A = arith.constant 1 : i32
      %mul3A_20 = arith.muli %scan3A_19, %mul3A : i32
      %add3A = arith.constant 0 : i32
      %add3A_21 = arith.addi %add3A, %mul3A_20 : i32
      %add3A_22 = arith.constant 797 : i32
      %add3A_23 = arith.addi %add3A_22, %add3A_21 : i32
      %jit3A = arith.constant 3 : i32
      %eq3A = arith.constant 0 : i32
      %eq3A_24 = arith.cmpi eq, %jit3A, %eq3A : i32
      %jit3A_25 = arith.constant 1 : i32
      %select_n3A = arith.select %eq3A_24, %jit3A_25, %jit3A : i32
      %rem3A = arith.remsi %add3A_23, %select_n3A : i32
      %ne3A = arith.constant 0 : i32
      %ne3A_26 = arith.cmpi ne, %rem3A, %ne3A : i32
      %lt3A = arith.constant 0 : i32
      %lt3A_27 = arith.cmpi slt, %rem3A, %lt3A : i32
      %lt3A_28 = arith.constant 0 : i32
      %lt3A_29 = arith.cmpi slt, %select_n3A, %lt3A_28 : i32
      %ne3A_30 = arith.xori %lt3A_27, %lt3A_29 : i1
      %and3A = arith.andi %ne3A_30, %ne3A_26 : i1
      %add3A_31 = arith.addi %rem3A, %select_n3A : i32
      %select_n3A_32 = arith.select %and3A, %add3A_31, %rem3A : i32
      %mul3A_33 = arith.constant 2048 : i32
      %mul3A_34 = arith.muli %select_n3A_32, %mul3A_33 : i32
      %mul3A_35 = arith.constant 32 : i32
      %mul3A_36 = arith.muli %arg0, %mul3A_35 : i32
      %jit3A_37 = arith.constant 25 : i32
      %div3A = arith.divsi %add3A_23, %jit3A_37 : i32
      %sign3A = arith.constant 0 : i32
      %sign3A_38 = arith.cmpi sgt, %add3A_23, %sign3A : i32
      %sign3A_39 = arith.extui %sign3A_38 : i1 to i32
      %sign3A_40 = arith.constant 0 : i32
      %sign3A_41 = arith.cmpi slt, %add3A_23, %sign3A_40 : i32
      %sign3A_42 = arith.extui %sign3A_41 : i1 to i32
      %sign3A_43 = arith.subi %sign3A_39, %sign3A_42 : i32
      %sign3A_44 = arith.constant 0 : i32
      %sign3A_45 = arith.cmpi sgt, %jit3A_37, %sign3A_44 : i32
      %sign3A_46 = arith.extui %sign3A_45 : i1 to i32
      %sign3A_47 = arith.constant 0 : i32
      %sign3A_48 = arith.cmpi slt, %jit3A_37, %sign3A_47 : i32
      %sign3A_49 = arith.extui %sign3A_48 : i1 to i32
      %sign3A_50 = arith.subi %sign3A_46, %sign3A_49 : i32
      %ne3A_51 = arith.cmpi ne, %sign3A_43, %sign3A_50 : i32
      %rem3A_52 = arith.remsi %add3A_23, %jit3A_37 : i32
      %ne3A_53 = arith.constant 0 : i32
      %ne3A_54 = arith.cmpi ne, %rem3A_52, %ne3A_53 : i32
      %and3A_55 = arith.andi %ne3A_51, %ne3A_54 : i1
      %sub3A = arith.constant 1 : i32
      %sub3A_56 = arith.subi %div3A, %sub3A : i32
      %select_n3A_57 = arith.select %and3A_55, %sub3A_56, %div3A : i32
      %add3A_58 = arith.addi %mul3A_36, %select_n3A_57 : i32
      %jit3A_59 = arith.constant 25 : i32
      %eq3A_60 = arith.constant 0 : i32
      %eq3A_61 = arith.cmpi eq, %jit3A_59, %eq3A_60 : i32
      %jit3A_62 = arith.constant 1 : i32
      %select_n3A_63 = arith.select %eq3A_61, %jit3A_62, %jit3A_59 : i32
      %rem3A_64 = arith.remsi %add3A_23, %select_n3A_63 : i32
      %ne3A_65 = arith.constant 0 : i32
      %ne3A_66 = arith.cmpi ne, %rem3A_64, %ne3A_65 : i32
      %lt3A_67 = arith.constant 0 : i32
      %lt3A_68 = arith.cmpi slt, %rem3A_64, %lt3A_67 : i32
      %lt3A_69 = arith.constant 0 : i32
      %lt3A_70 = arith.cmpi slt, %select_n3A_63, %lt3A_69 : i32
      %ne3A_71 = arith.xori %lt3A_68, %lt3A_70 : i1
      %and3A_72 = arith.andi %ne3A_71, %ne3A_66 : i1
      %add3A_73 = arith.addi %rem3A_64, %select_n3A_63 : i32
      %select_n3A_74 = arith.select %and3A_72, %add3A_73, %rem3A_64 : i32
      %mul3A_75 = arith.constant 16 : i32
      %mul3A_76 = arith.muli %select_n3A_74, %mul3A_75 : i32
      %add3A_77 = arith.addi %mul3A_76, %arg1 : i32
      %jit3A_78 = arith.constant 2 : i32
      %div3A_79 = arith.divsi %add3A_77, %jit3A_78 : i32
      %sign3A_80 = arith.constant 0 : i32
      %sign3A_81 = arith.cmpi sgt, %add3A_77, %sign3A_80 : i32
      %sign3A_82 = arith.extui %sign3A_81 : i1 to i32
      %sign3A_83 = arith.constant 0 : i32
      %sign3A_84 = arith.cmpi slt, %add3A_77, %sign3A_83 : i32
      %sign3A_85 = arith.extui %sign3A_84 : i1 to i32
      %sign3A_86 = arith.subi %sign3A_82, %sign3A_85 : i32
      %sign3A_87 = arith.constant 0 : i32
      %sign3A_88 = arith.cmpi sgt, %jit3A_78, %sign3A_87 : i32
      %sign3A_89 = arith.extui %sign3A_88 : i1 to i32
      %sign3A_90 = arith.constant 0 : i32
      %sign3A_91 = arith.cmpi slt, %jit3A_78, %sign3A_90 : i32
      %sign3A_92 = arith.extui %sign3A_91 : i1 to i32
      %sign3A_93 = arith.subi %sign3A_89, %sign3A_92 : i32
      %ne3A_94 = arith.cmpi ne, %sign3A_86, %sign3A_93 : i32
      %rem3A_95 = arith.remsi %add3A_77, %jit3A_78 : i32
      %ne3A_96 = arith.constant 0 : i32
      %ne3A_97 = arith.cmpi ne, %rem3A_95, %ne3A_96 : i32
      %and3A_98 = arith.andi %ne3A_94, %ne3A_97 : i1
      %sub3A_99 = arith.constant 1 : i32
      %sub3A_100 = arith.subi %div3A_79, %sub3A_99 : i32
      %select_n3A_101 = arith.select %and3A_98, %sub3A_100, %div3A_79 : i32
      %jit3A_102 = arith.constant 2 : i32
      %eq3A_103 = arith.constant 0 : i32
      %eq3A_104 = arith.cmpi eq, %jit3A_102, %eq3A_103 : i32
      %jit3A_105 = arith.constant 1 : i32
      %select_n3A_106 = arith.select %eq3A_104, %jit3A_105, %jit3A_102 : i32
      %rem3A_107 = arith.remsi %add3A_77, %select_n3A_106 : i32
      %ne3A_108 = arith.constant 0 : i32
      %ne3A_109 = arith.cmpi ne, %rem3A_107, %ne3A_108 : i32
      %lt3A_110 = arith.constant 0 : i32
      %lt3A_111 = arith.cmpi slt, %rem3A_107, %lt3A_110 : i32
      %lt3A_112 = arith.constant 0 : i32
      %lt3A_113 = arith.cmpi slt, %select_n3A_106, %lt3A_112 : i32
      %ne3A_114 = arith.xori %lt3A_111, %lt3A_113 : i1
      %and3A_115 = arith.andi %ne3A_114, %ne3A_109 : i1
      %add3A_116 = arith.addi %rem3A_107, %select_n3A_106 : i32
      %select_n3A_117 = arith.select %and3A_115, %add3A_116, %rem3A_107 : i32
      %mul3A_118 = arith.constant 2048 : i32
      %mul3A_119 = arith.muli %select_n3A_117, %mul3A_118 : i32
      %jit3A_120 = arith.constant 3 : i32
      %eq3A_121 = arith.constant 0 : i32
      %eq3A_122 = arith.cmpi eq, %jit3A_120, %eq3A_121 : i32
      %jit3A_123 = arith.constant 1 : i32
      %select_n3A_124 = arith.select %eq3A_122, %jit3A_123, %jit3A_120 : i32
      %rem3A_125 = arith.remsi %add3A_23, %select_n3A_124 : i32
      %ne3A_126 = arith.constant 0 : i32
      %ne3A_127 = arith.cmpi ne, %rem3A_125, %ne3A_126 : i32
      %lt3A_128 = arith.constant 0 : i32
      %lt3A_129 = arith.cmpi slt, %rem3A_125, %lt3A_128 : i32
      %lt3A_130 = arith.constant 0 : i32
      %lt3A_131 = arith.cmpi slt, %select_n3A_124, %lt3A_130 : i32
      %ne3A_132 = arith.xori %lt3A_129, %lt3A_131 : i1
      %and3A_133 = arith.andi %ne3A_132, %ne3A_127 : i1
      %add3A_134 = arith.addi %rem3A_125, %select_n3A_124 : i32
      %select_n3A_135 = arith.select %and3A_133, %add3A_134, %rem3A_125 : i32
      %dma_wait3A = tpu.memref_slice %arg7[%mul3A_34] : memref<6144xf32, #tpu.memory_space<vmem>> -> memref<2048xf32, #tpu.memory_space<vmem>>
      %dma_wait3A_136 = tpu.memref_slice %arg4[%select_n3A_101, %add3A_58, %mul3A_119] : memref<200x64x4096xf32, #tpu.memory_space<hbm>> -> memref<1x1x2048xf32, #tpu.memory_space<hbm>>
      %dma_wait3A_137 = tpu.memref_squeeze %dma_wait3A_136 : memref<1x1x2048xf32, #tpu.memory_space<hbm>> -> memref<2048xf32, #tpu.memory_space<hbm>>
      %dma_wait3A_138 = tpu.memref_slice %arg9[%select_n3A_135] : memref<3x!tpu.dma_semaphore, #tpu.memory_space<semaphore_mem>> -> memref<1x!tpu.dma_semaphore, #tpu.memory_space<semaphore_mem>>
      %dma_wait3A_139 = tpu.memref_squeeze %dma_wait3A_138 : memref<1x!tpu.dma_semaphore, #tpu.memory_space<semaphore_mem>> -> memref<!tpu.dma_semaphore, #tpu.memory_space<semaphore_mem>>
      %dma_wait3A_140 = tpu.memref_slice %arg4[%select_n3A_101, %add3A_58, %mul3A_119] : memref<200x64x4096xf32, #tpu.memory_space<hbm>> -> memref<1x1x2048xf32, #tpu.memory_space<hbm>>
      %dma_wait3A_141 = tpu.memref_squeeze %dma_wait3A_140 : memref<1x1x2048xf32, #tpu.memory_space<hbm>> -> memref<2048xf32, #tpu.memory_space<hbm>>
      %dma_wait3A_142 = tpu.memref_slice %arg7[%mul3A_34] : memref<6144xf32, #tpu.memory_space<vmem>> -> memref<2048xf32, #tpu.memory_space<vmem>>
      tpu.wait_dma2 semaphore(%dma_wait3A_139 : memref<!tpu.dma_semaphore, #tpu.memory_space<semaphore_mem>>) src(%dma_wait3A_142 : memref<2048xf32, #tpu.memory_space<vmem>>) dst(%dma_wait3A_141 : memref<2048xf32, #tpu.memory_space<hbm>>)
    }
    %scan3A_18 = arith.constant 3 : i32
    return
  }
}

</mosaic_0001>

<sc_bundles>
// kernel: kernel.3.cloned.1.call-start
scs
__scs_entry_jumppad:
0x0: {  	(pc) =	sbr.rel $0x88, $3  }
0x1: {  	(tag) =	ssettag $0x0;
	lr =	simm.s32 $0x1  }
0x2: {  	[smem:$0x3F9F] =	sst lr;
	_ =	strace $0xD0000000  }
0x3: {  	_ = 	snop  }
0x4: {  	_ = 	snop  }
0x5: {  	_ = 	snop  }
0x6: {  	_ = 	snop  }
0x7: {  	_ = 	snop  }
__scs_overlays_trampoline_lowered:
0x8: {  	[smem:$0x3FAE] =	sst s0  }
0x9: {  	[smem:$0x3FAF] =	sst s1  }
0xa: {  	[smem:$0x3FB0] =	sst s2  }
0xb: {  	[smem:$0x3FB1] =	sst s3  }
0xc: {  	[smem:$0x3FB2] =	sst s4  }
0xd: {  	[smem:$0x3FB3] =	sst s5  }
0xe: {  	[smem:$0x3FB4] =	sst s6  }
0xf: {  	[smem:$0x3FB5] =	sst s7  }
0x10: {  	[smem:$0x3FB6] =	sst s8  }
0x11: {  	[smem:$0x3FB7] =	sst s9;
	s0 =	simm.s32 @!p0 $0x0  }
0x12: {  	s1 =	sld [smem:$0x3F9D];
	s0 =	simm.s32 @p0 $0x1  }
0x13: {  	[smem:$0x3FB8] =	sst s0;
	s0 =	simm.s32 @!p1 $0x0  }
0x14: {  	s2 =	sld [smem:$0x3F9C];
	s0 =	simm.s32 @p1 $0x1  }
0x15: {  	[smem:$0x3FB9] =	sst s0;
	s0 =	simm.s32 @!p2 $0x0  }
0x16: {  	s3 =	sld [smem:$0x3FDB];
	s0 =	simm.s32 @p2 $0x1  }
0x17: {  	s4 =	simm.s32 $0x1BF5;
	[smem:$0x3FBB] =	sst s0  }
0x18: {  	s0 =	sld [smem:$0x3F9E];
	_ =	swait.ge [sflag:s4], $0x0  }
0x19: {  	s7 =	sld [smem:$0x3F9F]  }
0x1a: {  	s8 =	sadd.s32 $0xFFFFE003, lr  }
0x1b: {  	s9 =	sadd.s32 $0xFFFFFEF7, lr;
	s5 =	simm.s32 $0xFFFFFFFF;
	p2 =	slt.u32 s8, $0xFFFFF086  }
0x1c: {  	p1 =	slt.u32 s9, $0xF7A;
	s5 =	simm.s32 @!p2 $0x0  }
0x1d: {  	s5 =	simm.s32 @p1 $0x1;
	p0 =	seq.s32 s7, s2  }
0x1e: {  	s7 =	smul.u32 @!p0 $0xF7A, s2;
	p2 =	seq.s32 @!p0 s5, $0x0  }
0x1f: {  	s9 =	smul.u32 $0xF7A, s1;
	s8 =	simm.s32 @!p0 $0x1BF5;
	p2 =	por !p2, p0  }
0x20: {  	[sflag:s8] =	ssyncset.s32 @!p0 $0xFFFFF086;
	s6 =	sadd.s32 @!p0 s3, s7;
	s7 =	simm.s32 @!p0 $0x108  }
0x21: {  	s3 =	sadd.s32 s3, s9;
	s6 =	sadd.s32 @!p0 $0x88, s6;
	s7 =	simm.s32 @p2 $0x1082  }
0x22: {  	[simem:s7], [sflag:s8] =	dma.local @!p0 [hbm:s6], $0xF7A  }
0x23: {  	s9 =	sor.u32 $0xD0000000, s2;
	s6 =	simm.s32 $0x108;
	_ =	swait.ge @!p0 [sflag:s8], $0x0  }
0x24: {  	s3 =	sadd.s32 $0x88, s3;
	s6 =	simm.s32 @!p1 $0x1082;
	[sflag:s4] =	ssyncset.s32 $0xFFFFF086  }
0x25: {  	[simem:s6], [sflag:s4] =	dma.local [hbm:s3], $0xF7A  }
0x26: {  	[smem:$0x3F9F] =	sst s1;
	(tag) =	ssettag s2;
	_ =	strace s9  }
0x27: {  	s1 =	sld [smem:$0x3FAF]  }
0x28: {  	s2 =	sld [smem:$0x3FB0]  }
0x29: {  	s4 =	sld [smem:$0x3FB2]  }
0x2a: {  	p0 =	seq.s32 s5, $0x0;
	s5 =	sld [smem:$0x3FB3]  }
0x2b: {  	s6 =	sld [smem:$0x3FB4]  }
0x2c: {  	s7 =	sld [smem:$0x3FB5]  }
0x2d: {  	s3 =	simm.s32 $0x108;
	s8 =	sld [smem:$0x3FB6]  }
0x2e: {  	s3 =	simm.s32 @!p0 $0x1082;
	s9 =	sld [smem:$0x3FB7]  }
0x2f: {  	lr =	sadd.s32 s0, s3;
	s0 =	sld [smem:$0x3FAE]  }
0x30: {  	s3 =	sld [smem:$0x3FB1]  }
0x31: {  	[smem:$0x3FBA] =	sst s10  }
0x32: {  	s10 =	sld [smem:$0x3FB8];
	_ =	sdelay $0x3  }
0x33: {  	p0 =	seq.s32 s10, $0x1;
	s10 =	sld [smem:$0x3FBA];
	_ =	sdelay $0x3  }
0x34: {  	[smem:$0x3FBA] =	sst s10  }
0x35: {  	s10 =	sld [smem:$0x3FB9];
	_ =	sdelay $0x3  }
0x36: {  	p1 =	seq.s32 s10, $0x1;
	s10 =	sld [smem:$0x3FBA];
	_ =	sdelay $0x3  }
0x37: {  	[smem:$0x3FBA] =	sst s10  }
0x38: {  	s10 =	sld [smem:$0x3FBB]  }
0x39: {  	_ = 	snop;
	(pc) =	sbr.ind lr, $3  }
0x3a: {  	_ = 	snop  }
0x3b: {  	_ = 	snop  }
0x3c: {  	p2 =	seq.s32 s10, $0x1;
	s10 =	sld [smem:$0x3FBA]  }
0x3d: {  	_ =	shalt  }
0x3e: {  	_ =	shalt  }
0x3f: {  	_ =	shalt  }
0x40: {  	_ =	shalt  }
0x41: {  	_ =	shalt  }
0x42: {  	_ =	shalt  }
0x43: {  	_ =	shalt  }
0x44: {  	_ =	shalt  }
0x45: {  	_ =	shalt  }
0x46: {  	_ =	shalt  }
0x47: {  	_ =	shalt  }
0x48: {  	_ =	shalt  }
0x49: {  	_ =	shalt  }
0x4a: {  	_ =	shalt  }
0x4b: {  	_ =	shalt  }
0x4c: {  	_ =	shalt  }
0x4d: {  	_ =	shalt  }
0x4e: {  	_ =	shalt  }
0x4f: {  	_ =	shalt  }
0x50: {  	_ =	shalt  }
0x51: {  	_ =	shalt  }
0x52: {  	_ =	shalt  }
0x53: {  	_ =	shalt  }
0x54: {  	_ =	shalt  }
0x55: {  	_ =	shalt  }
0x56: {  	_ =	shalt  }
0x57: {  	_ =	shalt  }
0x58: {  	_ =	shalt  }
0x59: {  	_ =	shalt  }
0x5a: {  	_ =	shalt  }
0x5b: {  	_ =	shalt  }
0x5c: {  	_ =	shalt  }
0x5d: {  	_ =	shalt  }
0x5e: {  	_ =	shalt  }
0x5f: {  	_ =	shalt  }
0x60: {  	_ =	shalt  }
0x61: {  	_ =	shalt  }
0x62: {  	_ =	shalt  }
0x63: {  	_ =	shalt  }
0x64: {  	_ =	shalt  }
0x65: {  	_ =	shalt  }
0x66: {  	_ =	shalt  }
0x67: {  	_ =	shalt  }
0x68: {  	_ =	shalt  }
0x69: {  	_ =	shalt  }
0x6a: {  	_ =	shalt  }
0x6b: {  	_ =	shalt  }
0x6c: {  	_ =	shalt  }
0x6d: {  	_ =	shalt  }
0x6e: {  	_ =	shalt  }
0x6f: {  	_ =	shalt  }
0x70: {  	_ =	shalt  }
0x71: {  	_ =	shalt  }
0x72: {  	_ =	shalt  }
0x73: {  	_ =	shalt  }
0x74: {  	_ =	shalt  }
0x75: {  	_ =	shalt  }
0x76: {  	_ =	shalt  }
0x77: {  	_ =	shalt  }
0x78: {  	_ =	shalt  }
0x79: {  	_ =	shalt  }
0x7a: {  	_ =	shalt  }
0x7b: {  	_ =	shalt  }
0x7c: {  	_ =	shalt  }
0x7d: {  	_ =	shalt  }
0x7e: {  	_ =	shalt  }
0x7f: {  	_ =	shalt  }
0x80: {  	_ =	shalt  }
0x81: {  	_ =	shalt  }
0x82: {  	_ =	shalt  }
0x83: {  	_ =	shalt  }
0x84: {  	_ =	shalt  }
0x85: {  	_ =	shalt  }
0x86: {  	_ =	shalt  }
0x87: {  	_ =	shalt  }
.Lfunc_end0:
.L_simem_size_0:
called_computation_lowered:
.L_overlay_start_0:
0x88: {  	s2 =	sld [smem:$0x3FD9]  }
0x89: {  	s3 =	sld [smem:$0x3FFE];
	_ =	sdelay $0x1  }
0x8a: {  	s1 =	srdreg.scid  }
0x8b: {  	s0 =	sand.u32 $0x1, s1  }
0x8c: {  	s18 =	sshll.u32 s0, $0xA;
	s2 =	sadd.s32 s3, s2  }
0x8d: {  	s2 =	sadd.s32 s2, s18  }
0x8e: {  	[smem:$0x3FC6] =	sst s2  }
0x8f: {  	_ = 	snop  }
0x90: {  	s2 =	sld [smem:$0x3FC9]  }
0x91: {  	s19 =	sld [smem:$0x3FC8]  }
0x92: {  	s4 =	sld [smem:$0x3FD0];
	(tm) =	ssettm $0x1  }
0x93: {  	s5 =	sld [smem:$0x3FFB];
	_ =	sdelay $0x3  }
0x94: {  	_ =	strace s5  }
0x95: {  	s5 =	sld [smem:$0x3FFC];
	_ =	sdelay $0x3  }
0x96: {  	_ =	strace s5  }
0x97: {  	s5 =	sld [smem:$0x3FFD];
	_ =	sdelay $0x3  }
0x98: {  	_ =	strace s5  }
0x99: {  	_ =	strace $0x8FFFFFFF  }
0x9a: {  	s20 =	sld [smem:$0x3FDB];
	_ =	sdelay $0x1  }
0x9b: {  	s6 =	simm.s32 $_scs_section_size  }
0x9c: {  	s7 =	simm.s32 $_size__tile_overlayer_lowered;
	s8 =	simm.s32 $_tile_overlayer_lowered  }
0x9d: {  	s23 =	simm.s32 $0x1BFF;
	s22 =	sshll.u32 s8, $0x1;
	s5 =	sadd.s32 s6, s20  }
0x9e: {  	s9 =	simm.s32 $0x0;
	s21 =	sshll.u32 s7, $0x1;
	s7 =	sadd.s32 s22, s5  }
0x9f: {  	[timem:s9], [sflag:s23] =	dma.local [hbm:s7], s21  }
0xa0: {  	_ =	swait.ge [sflag:s23], s21  }
0xa1: {  	s6 =	ssub.s32 $0x0, s21;
	[sflag:s23] =	ssyncset.done $0x0  }
0xa2: {  	[sflag:s23] =	ssyncadd.s32 s6;
	_ =	sdelay $0x1  }
0xa3: {  	s24 =	simm.s32 $0x1B8B  }
0xa4: {  	_ =	swait.ge [sflag:s24], $0x1  }
0xa5: {  	[sflag:s24] =	ssyncset.done $0x0  }
0xa6: {  	s25 =	simm.s32 $0x1B8E;
	[sflag:s24] =	ssyncadd.s32 $0xFFFFFFFF  }
0xa7: {  	s26 =	simm.s32 $execute0_lowered;
	[smem:$0x3FD2] =	sst s25  }
0xa8: {  	s6 =	sshll.u32 s26, $0x1;
	_ =	strace $0x80000046;
	[dreg:$0x1] =	wrdreg $0xFFFFFFFF  }
0xa9: {  	s28 =	simm.s32 $_size_execute0_lowered;
	s5 =	sadd.s32 s5, s6;
	[dreg:$0x0] =	wrdreg $0x0  }
0xaa: {  	s6 =	sshll.u32 s28, $0x1;
	[dreg:$0x2] =	wrdreg s5  }
0xab: {  	[dreg:$0x3] =	wrdreg s6  }
0xac: {  	[dreg:$0x4] =	wrdreg $0xC0  }
0xad: {  	_ =	task [dreg:s9], $0x5FFFF  }
0xae: {  	[dreg:$0x1] =	wrdreg $0xFFFFFFFF  }
0xaf: {  	[dreg:$0x0] =	wrdreg $0x60  }
0xb0: {  	[dreg:$0x2] =	wrdreg s19  }
0xb1: {  	[dreg:$0x3] =	wrdreg s2  }
0xb2: {  	[dreg:$0x4] =	wrdreg s4  }
0xb3: {  	[dreg:$0x5] =	wrdreg $0x0  }
0xb4: {  	[dreg:$0x6] =	wrdreg $0x9  }
0xb5: {  	_ =	task.clear_ibuf [dreg:s9], $0x7FFFF;
	_ =	strace $0x90000046  }
0xb6: {  	s29 =	simm.s32 $0x9;
	_ =	strace $0x80000048  }
0xb7: {  	_ =	swait.ge [sflag:s29], $0x1  }
0xb8: {  	[sflag:s29] =	ssyncadd.s32 $0xFFFFFFFF  }
0xb9: {  	_ =	strace $0x90000048  }
0xba: {  	_ =	sfence  }
0xbb: {  	s30 =	sld [smem:$0x0];
	_ =	sdelay $0x2  }
0xbc: {  	s31 =	sshll.u32 s1, $0xD;
	s1 =	sshrl.u32 s1, $0x2  }
0xbd: {  	s3 =	sand.u32 $0x4000, s31;
	s1 =	sadd.s32 s1, s30  }
0xbe: {  	s0 =	sor.u32 s3, s0;
	s1 =	sshll.u32 s1, $0x11  }
0xbf: {  	s0 =	sor.u32 s1, s0  }
0xc0: {  	s0 =	sadd.s32 $0x8F2B, s0  }
0xc1: {  	[sflag:s0] =	ssyncadd.remote.s32 $0x1  }
0xc2: {  	_ =	sfence.sel $0xFFFF  }
0xc3: {  	[dreg:$0x0] =	wrdreg $0xFFFFFFFF;
	(pc) =	sbr.abs _section_cstart, $3  }
0xc4: {  	[dreg:$0x1] =	wrdreg $0xFFFFFFFF  }
0xc5: {  	_ =	task.clear_ibuf [dreg:s9], $0x2FFFF;
	_ =	strace $0x9FFFFFFF  }
0xc6: {  	(tm) =	ssettm $0x7FFFFFFF  }
0xc7: {  	_ =	shalt  }
tec
execute0_lowered:
.L_overlay_start_1:
0x0: {  	(tag) =	ssettag $0x1  }
0x1: {  	s12 =	rddreg [dreg:$0x1]  }
0x2: {  	s3 =	rddreg [dreg:$0x2]  }
0x3: {  	s4 =	rddreg [dreg:$0x3]  }
0x4: {  	s0 =	srdreg.scid;
	s1 =	simm.s32 $0x0;
	s6 =	stileid.u32  }
0x5: {  	s13 =	simm.s32 $0x80;
	s15 =	simm.s32 $0x400;
	s31 =	simm.s32 $0x800  }
0x6: {  	s0 =	sand.u32 $0x1, s0;
	[smem:$0x7FF] =	sst s1;
	s26 =	sand.u32 $0x1, s6  }
0x7: {  	s5 =	sshll.u32 s6, $0xE;
	s29 =	ssub.s32 $0x0, s6;
	s30 =	sshrl.u32 s6, $0x1  }
0x8: {  	s25 =	ssub.s32 $0x2, s0;
	_ =	strace $0x80000047;
	[dreg:$0x9] =	wrdreg s29  }
0x9: {  	p1 =	seq.s32 s6, $0x0;
	[dreg:$0xa] =	wrdreg s30;
	s2 =	sshrl.u32 s25, $0x1  }
0xa: {  	s0 =	sshll.u32 s0, $0x5;
	[dreg:$0x5] =	wrdreg s31;
	s1 =	ssub.s32 s25, s2  }
0xb: {  	p0 =	seq.s32 s26, $0x1;
	[dreg:$0x7] =	wrdreg s0;
	s28 =	smax.u32 s1, $0x1  }
0xc: {  	s7 =	sand.u32 $0x4000, s5;
	s2 =	simm.s32 $0x0;
	[dreg:$0x8] =	wrdreg s28  }
.LBB2_1:
0xd: {  	s8 =	rddreg [dreg:$0x9]  }
0xe: {  	p2 =	seq.s32 s8, $0x0  }
0xf: {  	s0 =	simm.s32 $0x0;
	p2 =	por !p2, !p0  }
0x10: {  	s1 =	simm.s32 $0x1;
	s0 =	smul.u32 $0xAB, s0;
	p2 =	por !p2, !p2  }
0x11: {  	s11 =	rddreg [dreg:$0xa];
	s1 =	simm.s32 @!p2 $0x0  }
0x12: {  	[dreg:$0xb] =	wrdreg s2;
	s0 =	sshrl.u32 s0, $0x9;
	s1 =	ssub.s32 s11, s1  }
0x13: {  	s0 =	sand.u32 $0x7F, s0;
	s30 =	sshll.u32 s1, $0xC;
	s1 =	sshll.u32 s1, $0x7  }
0x14: {  	s5 =	smul.u32 $0x3, s0;
	s2 =	sand.u32 $0xFFFF8000, s30;
	s1 =	sand.u32 $0x380, s1  }
0x15: {  	s1 =	sor.u32 s1, s2  }
0x16: {  	s0 =	simm.s32 $0xF428;
	s31 =	ssub.s32 $0x0, s5;
	s1 =	sor.u32 s7, s1  }
0x17: {  	s5 =	sadd.s32 $0xFFFFFFF0, s8;
	s2 =	sand.u32 $0xFF, s31;
	s1 =	sshrl.u32 s1, $0x3  }
0x18: {  	p6 =	seq.s32 s5, $0x0;
	s2 =	sadd.s32 $0x1, s2;
	s1 =	sadd.s32 s12, s1  }
0x19: {  	[tilespmem:s0], [sflag:s2] =	stream.strided.gather [hbm4b:s1+s13], $0x800, s15, s13, $0x38;
	[tilespmem:$0x1D428] =	vst v63  }
0x1a: {  	s9 =	simm.s32 $0x2;
	p2 =	por !p6, !p0;
	s1 =	simm.s32 $0x1  }
0x1b: {  	s8 =	smov.u32 s11;
	p3 =	por !p2, !p2;
	s10 =	smul.u32 $0xAB, s1  }
.LBB2_2:
0x1c: {  	p2 =	sne.s32 s9, $0x18;
	s2 =	simm.s32 $0x1;
	s8 =	sadd.s32 $0x8, s8  }
0x1d: {  	s11 =	smov.u32 s1;
	s1 =	smov.u32 s9;
	s2 =	simm.s32 @!p3 $0x0  }
0x1e: {  	s10 =	sshrl.u32 s10, $0x9;
	s2 =	ssub.s32 s8, s2  }
0x1f: {  	s10 =	sand.u32 $0x7F, s10;
	s14 =	sshll.u32 s2, $0xC;
	s2 =	sshll.u32 s2, $0x7  }
0x20: {  	s10 =	smul.u32 $0x3, s10;
	s14 =	sand.u32 $0xFFFF8000, s14;
	s2 =	sand.u32 $0x380, s2  }
0x21: {  	s0 =	sadd.s32 $0x800, s0;
	s5 =	sadd.s32 $0xFFFFFFF0, s5;
	s2 =	sor.u32 s2, s14  }
.Ltmp0:
0x22: {  	s10 =	ssub.s32 s11, s10;
	s2 =	sor.u32 s7, s2;
	(pc) =	sbr.rel @p2 .LBB2_2-.Ltmp0, $4  }
0x23: {  	p3 =	seq.s32 s5, $0x0;
	s10 =	sand.u32 $0xFF, s10;
	s2 =	sshrl.u32 s2, $0x3  }
0x24: {  	p3 =	por !p3, !p0;
	s10 =	sadd.s32 $0x1, s10;
	s2 =	sadd.s32 s12, s2  }
0x25: {  	[tilespmem:s0], [sflag:s10] =	stream.strided.gather [hbm4b:s2+s13], $0x800, s15, s13, $0x38;
	[tilespmem:$0x1D428] =	vst v63  }
0x26: {  	s9 =	sadd.s32 $0x1, s9;
	p3 =	por !p3, !p3;
	s10 =	smul.u32 $0xAB, s1  }
0x27: {  	s2 =	simm.s32 $0x1  }
0x28: {  	s5 =	sadd.s32 $0x8, s8;
	s18 =	simm.s32 $0x0;
	s2 =	simm.s32 @!p3 $0x0  }
0x29: {  	s0 =	sadd.s32 $0x800, s0;
	s26 =	sshrl.u32 s10, $0x9;
	s2 =	ssub.s32 s5, s2  }
0x2a: {  	s5 =	sand.u32 $0x7F, s26;
	s28 =	sshll.u32 s2, $0xC;
	s2 =	sshll.u32 s2, $0x7  }
0x2b: {  	s5 =	smul.u32 $0x3, s5;
	s8 =	sand.u32 $0xFFFF8000, s28;
	s2 =	sand.u32 $0x380, s2  }
0x2c: {  	p2 =	por $0x1, $0x1;
	s29 =	smul.u32 $0xAB, s18;
	s2 =	sor.u32 s2, s8  }
.Ltmp1:
0x2d: {  	s1 =	ssub.s32 s1, s5;
	s2 =	sor.u32 s7, s2;
	(pc) =	sbr.rel @!p2 .LBB2_5-.Ltmp1, $4  }
0x2e: {  	s30 =	sshrl.u32 s29, $0x9;
	s1 =	sand.u32 $0xFF, s1;
	s2 =	sshrl.u32 s2, $0x3  }
0x2f: {  	s31 =	sand.u32 $0x7F, s30;
	s1 =	sadd.s32 $0x1, s1;
	s2 =	sadd.s32 s12, s2  }
0x30: {  	[tilespmem:s0], [sflag:s1] =	stream.strided.gather [hbm4b:s2+s13], $0x800, s15, s13, $0x38;
	[tilespmem:$0x1D428] =	vst v63  }
0x31: {  	s0 =	simm.s32 $0x1;
	s2 =	smul.u32 $0x3, s31;
	s1 =	simm.s32 $0x0  }
.LBB2_4:
0x32: {  	s5 =	smul.u32 $0xAB, s0  }
0x33: {  	s2 =	ssub.s32 s1, s2;
	s1 =	smov.u32 s0;
	p2 =	sne.s32 s0, $0x18  }
.Ltmp2:
0x34: {  	s0 =	sadd.s32 $0x1, s0;
	s2 =	sand.u32 $0xFF, s2;
	(pc) =	sbr.rel @p2 .LBB2_4-.Ltmp2, $4  }
0x35: {  	s5 =	sshrl.u32 s5, $0x9;
	s8 =	sadd.s32 $0x1, s2  }
0x36: {  	s2 =	sand.u32 $0x7F, s5;
	_ =	swait.ge [sflag:s8], $0x800  }
0x37: {  	s2 =	smul.u32 $0x3, s2;
	[sflag:s8] =	ssyncset.done $0x0  }
0x38: {  	[sflag:s8] =	ssyncadd.s32 $0xFFFFF800  }
.LBB2_5:
0x39: {  	_ = 	snop  }
0x3a: {  	s0 =	ssub.s32 s1, s2  }
0x3b: {  	s0 =	sand.u32 $0xFF, s0  }
0x3c: {  	s0 =	sadd.s32 $0x1, s0  }
0x3d: {  	_ =	swait.ge [sflag:s0], $0x800  }
0x3e: {  	s12 =	simm.s32 $0x1;
	s16 =	simm.s32 $0xFFFFFFFD;
	[sflag:s0] =	ssyncset.done $0x0  }
0x3f: {  	s21 =	simm.s32 $0x1BC28;
	s14 =	simm.s32 $0x0;
	[sflag:s0] =	ssyncadd.s32 $0xFFFFF800  }
.LBB2_6:
0x40: {  	s0 =	rddreg [dreg:$0x7];
	s2 =	sshll.u32 @p1 s14, $0x7  }
0x41: {  	s5 =	rddreg [dreg:$0x0];
	s8 =	simm.s32 @p1 $0x1;
	s9 =	simm.s32 @p1 $0x10  }
0x42: {  	s10 =	simm.s32 @p1 $0x80;
	s11 =	simm.s32 @p1 $0x1C07;
	s24 =	smul.u32 $0x19, s14  }
0x43: {  	p2 =	por $0x1, $0x1;
	s19 =	simm.s32 $0x0;
	s0 =	sadd.s32 s0, s14  }
0x44: {  	s26 =	simm.s32 $0xF428;
	s22 =	smulhi.u32 $0xAAAAAAAB, s16;
	s1 =	sshrl.u32 @p1 s0, $0x3  }
0x45: {  	s28 =	simm.s32 $0x1;
	s29 =	sadd.s32 $0x1, s18;
	s1 =	smul.u32 @p1 $0x7A1400, s1  }
0x46: {  	s15 =	sadd.s32 $0x0, s18;
	s30 =	sadd.s32 $0x800, s21;
	s2 =	sand.u32 @p1 $0x380, s2  }
0x47: {  	s31 =	sadd.s32 $0x1, s16;
	s17 =	smulhi.u32 $0xAAAAAAAB, s18;
	s1 =	sor.u32 @p1 s2, s1  }
0x48: {  	p3 =	slt.u32 s15, $0x3;
	s0 =	sshll.u32 s0, $0xC;
	s1 =	sshrl.u32 @p1 s1, $0x3  }
0x49: {  	s13 =	sshrl.u32 s22, $0x1;
	s1 =	sadd.s32 @p1 s5, s1;
	s5 =	sshrl.u32 @p1 s4, $0x3  }
0x4a: {  	[spmem:s5@s9], [sflag:s11] =	dma.strided @p1 [hbm:s1@s10], $0x1E850, s8, $0x10   }
0x4b: {  	s25 =	sand.u32 $0x38000, s0;
	s1 =	simm.s32 @p1 $0x7;
	s5 =	sshll.u32 @!p1 s14, $0x7  }
0x4c: {  	_ =	swait.ge @p1 [sflag:s1], $0x1E850;
	s23 =	sand.u32 @!p1 $0x380, s5;
	s5 =	simm.s32 @!p2 $0xFFFFFFFE  }
0x4d: {  	s23 =	smov.u32 @p1 s2;
	s2 =	smul.u32 $0xAB, s19;
	s5 =	sand.u32 @!p2 $0xFF, s5  }
0x4e: {  	s8 =	sadd.s32 @!p2 $0xFFFFFFFE, s18;
	[sflag:s1] =	ssyncset.done @p1 $0x0;
	s0 =	smul.u32 @!p2 $0xAB, s5  }
0x4f: {  	s5 =	sshra.s32 @!p2 s8, $0x1F;
	[sflag:s1] =	ssyncadd.s32 @p1 $0xFFFE17B0;
	s1 =	smulhi.u32 @!p2 $0x51EB851F, s8  }
0x50: {  	s22 =	sshrl.u32 s17, $0x1;
	[dreg:$0xf] =	wrdreg s14;
	s10 =	smul.u32 @!p2 $0x55555556, s5  }
0x51: {  	s2 =	sshrl.u32 s2, $0x9;
	s5 =	smul.u32 @!p2 $0x51EB851F, s5;
	s0 =	sshrl.u32 @!p2 s0, $0x9  }
0x52: {  	[dreg:$0xd] =	wrdreg s16;
	s2 =	sand.u32 $0x7F, s2;
	s0 =	smul.u32 @!p2 $0x3, s0  }
0x53: {  	[dreg:$0xc] =	wrdreg s12;
	p2 =	por p2, p2;
	s2 =	smul.u32 $0x3, s2  }
0x54: {  	s20 =	sor.u32 s23, s25;
	s1 =	sadd.s32 @!p2 s5, s1;
	s5 =	smulhi.u32 @!p2 $0x55555556, s8  }
0x55: {  	s0 =	ssub.s32 @!p2 $0xFFFFFFFE, s0;
	s2 =	ssub.s32 $0x0, s2;
	s14 =	sshrl.u32 @!p2 s1, $0x1F  }
0x56: {  	s1 =	sshra.s32 @!p2 s1, $0x3;
	s0 =	sand.u32 @!p2 $0xFF, s0;
	s9 =	sand.u32 $0xFF, s2  }
0x57: {  	s10 =	sadd.s32 @!p2 s10, s5;
	s1 =	sadd.s32 @!p2 s14, s1;
	s2 =	smul.u32 $0xFFFFFFF4, s13  }
0x58: {  	s11 =	sshrl.u32 @!p2 s10, $0x1F;
	s5 =	sadd.s32 @!p2 $0x1, s0;
	s0 =	smul.u32 @!p2 $0x19, s1  }
0x59: {  	[dreg:$0x6] =	wrdreg s20;
	s1 =	sadd.s32 @!p2 s11, s10;
	s2 =	sshra.s32 s2, $0x2  }
0x5a: {  	s1 =	smul.u32 @!p2 $0x3, s1;
	s10 =	ssub.s32 @!p2 s8, s0;
	s2 =	sadd.s32 s2, s12  }
0x5b: {  	s0 =	sadd.s32 $0x1, s12;
	p4 =	slt.s32 @!p2 s10, $0x0;
	_ =	swait.ge @!p3 [sflag:s2], $0x800  }
0x5c: {  	[dreg:$0xe] =	wrdreg s21;
	s8 =	ssub.s32 @!p2 s8, s1;
	s1 =	sshll.u32 @!p2 s10, $0x4  }
0x5d: {  	p4 =	por !p4, p2;
	[sflag:s2] =	ssyncset.done @!p3 $0x0;
	s10 =	sadd.s32 @!p2 $0x190, s1  }
0x5e: {  	p5 =	slt.s32 @!p2 s8, $0x0;
	s14 =	sadd.s32 @!p2 $0x3, s8;
	s10 =	smov.u32 @p4 s1  }
0x5f: {  	[sflag:s2] =	ssyncadd.s32 @!p3 $0xFFFFF800;
	p4 =	por !p5, p2;
	s10 =	sor.u32 @!p2 s6, s10  }
0x60: {  	s1 =	rddreg [dreg:$0x5];
	s14 =	smov.u32 @p4 s8;
	s8 =	sshrl.u32 @!p2 s10, $0x1F  }
0x61: {  	s15 =	sshll.u32 @!p2 s10, $0xE;
	p3 =	slt.s32 @!p2 s10, $0x1;
	s8 =	sadd.s32 @!p2 s8, s10  }
0x62: {  	s2 =	sand.u32 @!p2 $0xFFFFFFFE, s8;
	s20 =	sshrl.u32 @!p2 s8, $0x1;
	s8 =	sadd.s32 @!p2 $0x8000, s15  }
0x63: {  	s15 =	simm.s32 @!p2 $0x1;
	p4 =	sne.s32 @!p2 s10, s2;
	s19 =	sand.u32 @!p2 $0x4000, s8  }
0x64: {  	s2 =	sshll.u32 @!p2 s14, $0xD;
	s10 =	sadd.s32 @!p2 $0x4, s14;
	p3 =	por @!p2 !p3, !p4  }
0x65: {  	s14 =	simm.s32 $0xF428;
	s2 =	sshra.s32 @!p2 s2, $0x2;
	p3 =	por @!p2 !p3, !p3  }
0x66: {  	s17 =	sadd.s32 @!p2 $0x1BC28, s2;
	s2 =	smul.u32 $0xFFFFA000, s22;
	p4 =	por !p3, p2  }
.LBB2_7:
0x67: {  	s15 =	simm.s32 @p4 $0x0  }
0x68: {  	s26 =	sadd.s32 $0x800, s26;
	s8 =	smov.u32 s28;
	s28 =	sadd.s32 $0x1, s28  }
0x69: {  	s11 =	smov.u32 s29;
	s16 =	smov.u32 s0;
	s9 =	sadd.s32 $0x1, s9  }
0x6a: {  	s13 =	simm.s32 @!p2 $0x80;
	s29 =	sadd.s32 $0x1, s29;
	s2 =	sshra.s32 s2, $0x2  }
0x6b: {  	s15 =	ssub.s32 @!p2 s20, s15;
	p4 =	slt.u32 s8, $0x2;
	s12 =	smul.u32 $0xAB, s8  }
0x6c: {  	s20 =	simm.s32 @!p2 $0x400;
	s15 =	sshll.u32 @!p2 s15, $0x12;
	s2 =	sadd.s32 s2, s21  }
0x6d: {  	[tilespmem:s2], [sflag:s9] =	stream.indirect.gather [spmem:s4], $0x1, s14, s1, $0xb8;
	[tilespmem:$0x1D428] =	vst v63  }
0x6e: {  	s15 =	sor.u32 @!p2 s19, s15;
	s1 =	sadd.s32 @!p4 $0xFFFFFFFE, s8;
	_ =	swait.ge @!p2 [sflag:s5], $0x800  }
0x6f: {  	s9 =	sshrl.u32 s12, $0x9;
	s19 =	sadd.s32 @!p4 s18, s1;
	[sflag:s5] =	ssyncset.done @!p2 $0x0  }
0x70: {  	s2 =	rddreg [dreg:$0x6];
	s22 =	sshra.s32 @!p4 s19, $0x1F;
	s12 =	smulhi.u32 @!p4 $0x51EB851F, s19  }
0x71: {  	[sflag:s5] =	ssyncadd.s32 @!p2 $0xFFFFF800;
	s2 =	sor.u32 @!p2 s2, s15;
	s15 =	smul.u32 @!p4 $0x55555556, s22  }
0x72: {  	s5 =	sand.u32 @!p4 $0xFF, s1;
	s22 =	smul.u32 @!p4 $0x51EB851F, s22;
	s2 =	sshrl.u32 @!p2 s2, $0x3  }
0x73: {  	s9 =	sand.u32 $0x7F, s9;
	s5 =	smul.u32 @!p4 $0xAB, s5;
	s2 =	sadd.s32 @!p2 s3, s2  }
0x74: {  	[hbm4b:s2+s13] =	stream.strided.scatter @!p2 [tilespmem:s17], [sflag:s10], $0x800, s20, s13, $0x38;
	[tilespmem:$0x1D428] =	vst v63  }
0x75: {  	s0 =	sadd.s32 $0x1, s0;
	p3 =	sne.s32 s28, $0x19;
	s13 =	smul.u32 $0x3, s9  }
0x76: {  	s21 =	smov.u32 s30;
	s5 =	sshrl.u32 @!p4 s5, $0x9;
	s17 =	smulhi.u32 $0xAAAAAAAB, s31  }
0x77: {  	s30 =	sadd.s32 $0x800, s30;
	p2 =	por p4, p4;
	s2 =	smul.u32 @!p4 $0x3, s5  }
0x78: {  	s14 =	smov.u32 s26;
	s10 =	sadd.s32 @!p2 s22, s12;
	s12 =	smulhi.u32 @!p2 $0x55555556, s19  }
0x79: {  	s31 =	sadd.s32 $0x1, s31;
	s22 =	smulhi.u32 $0xAAAAAAAB, s11;
	s5 =	ssub.s32 s8, s13  }
0x7a: {  	s20 =	sshrl.u32 s17, $0x1;
	s8 =	sadd.s32 s8, s18;
	s1 =	ssub.s32 @!p2 s1, s2  }
0x7b: {  	s2 =	sshrl.u32 @!p2 s10, $0x1F;
	s9 =	sand.u32 $0xFF, s5;
	s1 =	sand.u32 @!p2 $0xFF, s1  }
0x7c: {  	p4 =	slt.u32 s8, $0x3;
	s5 =	sadd.s32 @!p2 $0x1, s1;
	s1 =	sshra.s32 @!p2 s10, $0x3  }
0x7d: {  	s10 =	smul.u32 $0xFFFFFFF4, s20;
	s1 =	sadd.s32 @!p2 s2, s1;
	s2 =	sadd.s32 @!p2 s15, s12  }
0x7e: {  	s8 =	sshrl.u32 s22, $0x1;
	s12 =	sshrl.u32 @!p2 s2, $0x1F;
	s1 =	smul.u32 @!p2 $0x19, s1  }
0x7f: {  	s15 =	simm.s32 @!p2 $0x1;
	s10 =	sshra.s32 s10, $0x2;
	s2 =	sadd.s32 @!p2 s12, s2  }
0x80: {  	s10 =	sadd.s32 s10, s16;
	s2 =	smul.u32 @!p2 $0x3, s2;
	s1 =	ssub.s32 @!p2 s19, s1  }
0x81: {  	_ =	swait.ge @!p4 [sflag:s10], $0x800;
	p5 =	slt.s32 @!p2 s1, $0x0;
	s1 =	sshll.u32 @!p2 s1, $0x4  }
0x82: {  	s2 =	ssub.s32 @!p2 s19, s2;
	p5 =	por !p5, p2;
	s11 =	sadd.s32 @!p2 $0x190, s1  }
0x83: {  	[sflag:s10] =	ssyncset.done @!p4 $0x0;
	p6 =	slt.s32 @!p2 s2, $0x0;
	s11 =	smov.u32 @p5 s1  }
0x84: {  	s12 =	sadd.s32 @!p2 $0x3, s2;
	p5 =	por !p6, p2;
	s11 =	sor.u32 @!p2 s6, s11  }
0x85: {  	[sflag:s10] =	ssyncadd.s32 @!p4 $0xFFFFF800;
	s12 =	smov.u32 @p5 s2;
	s2 =	sshrl.u32 @!p2 s11, $0x1F  }
0x86: {  	s1 =	rddreg [dreg:$0x5];
	s13 =	sshll.u32 @!p2 s11, $0xE;
	s2 =	sadd.s32 @!p2 s2, s11  }
.Ltmp3:
0x87: {  	s20 =	sshrl.u32 @!p2 s2, $0x1;
	s2 =	sand.u32 @!p2 $0xFFFFFFFE, s2;
	(pc) =	sbr.rel @p3 .LBB2_7-.Ltmp3, $4  }
0x88: {  	p4 =	slt.s32 @!p2 s11, $0x1;
	s10 =	sadd.s32 @!p2 $0x8000, s13;
	p5 =	sne.s32 @!p2 s11, s2  }
0x89: {  	s19 =	sand.u32 @!p2 $0x4000, s10;
	s2 =	sshll.u32 @!p2 s12, $0xD;
	p4 =	por @!p2 !p4, !p5  }
0x8a: {  	s10 =	sadd.s32 @!p2 $0x4, s12;
	s2 =	sshra.s32 @!p2 s2, $0x2;
	p4 =	por @!p2 !p4, !p4  }
0x8b: {  	s17 =	sadd.s32 @!p2 $0x1BC28, s2;
	s2 =	smul.u32 $0xFFFFA000, s8;
	p4 =	por !p4, p2  }
0x8c: {  	_ = 	snop  }
0x8d: {  	s0 =	sshra.s32 s2, $0x2  }
0x8e: {  	s31 =	sadd.s32 $0x1, s9;
	s15 =	simm.s32 @p4 $0x0;
	s0 =	sadd.s32 s0, s21  }
0x8f: {  	[tilespmem:s0], [sflag:s31] =	stream.indirect.gather [spmem:s4], $0x1, s14, s1, $0xb8;
	[tilespmem:$0x1D428] =	vst v63  }
0x90: {  	s0 =	ssub.s32 @!p2 s20, s15  }
0x91: {  	_ =	swait.ge @!p2 [sflag:s5], $0x800;
	s0 =	sshll.u32 @!p2 s0, $0x12  }
0x92: {  	s1 =	rddreg [dreg:$0x6];
	s0 =	sor.u32 @!p2 s19, s0  }
0x93: {  	s13 =	simm.s32 $0x80;
	s0 =	sor.u32 @!p2 s1, s0  }
0x94: {  	s2 =	simm.s32 @!p2 $0x80;
	[sflag:s5] =	ssyncset.done @!p2 $0x0;
	s0 =	sshrl.u32 @!p2 s0, $0x3  }
0x95: {  	[sflag:s5] =	ssyncadd.s32 @!p2 $0xFFFFF800;
	s1 =	simm.s32 @!p2 $0x400;
	s0 =	sadd.s32 @!p2 s3, s0  }
0x96: {  	[hbm4b:s0+s2] =	stream.strided.scatter @!p2 [tilespmem:s17], [sflag:s10], $0x800, s1, s2, $0x38;
	[tilespmem:$0x1D428] =	vst v63  }
0x97: {  	s15 =	simm.s32 $0x400;
	s0 =	simm.s32 $0x17;
	p2 =	por $0x1, $0x1  }
.LBB2_9:
0x98: {  	s1 =	sadd.s32 s24, s0  }
0x99: {  	s2 =	smulhi.u32 $0x51EB851F, s1;
	_ =	sdelay $0x1  }
0x9a: {  	s2 =	sshrl.u32 s2, $0x3  }
0x9b: {  	s2 =	smul.u32 $0x19, s2;
	_ =	sdelay $0x1  }
0x9c: {  	s2 =	ssub.s32 s1, s2  }
0x9d: {  	s5 =	smul.u32 $0xAB, s0;
	s2 =	sshll.u32 s2, $0x4  }
0x9e: {  	s2 =	sor.u32 s6, s2  }
0x9f: {  	s5 =	sshrl.u32 s5, $0x9;
	p3 =	seq.s32 s2, $0x0  }
0xa0: {  	s9 =	smulhi.u32 $0xAAAAAAAB, s1;
	s5 =	sand.u32 $0x7F, s5;
	p3 =	por !p3, !p0  }
0xa1: {  	s8 =	simm.s32 $0x1;
	s5 =	smul.u32 $0x3, s5;
	p3 =	por !p3, !p3  }
0xa2: {  	s30 =	sshrl.u32 s9, $0x1;
	s2 =	sshrl.u32 s2, $0x1;
	s8 =	simm.s32 @!p3 $0x0  }
0xa3: {  	s29 =	ssub.s32 s0, s5;
	s5 =	smul.u32 $0x3, s30;
	s2 =	ssub.s32 s2, s8  }
0xa4: {  	s0 =	sand.u32 $0xFF, s29;
	s2 =	sshll.u32 s2, $0x12  }
0xa5: {  	s0 =	sadd.s32 $0x1, s0;
	s1 =	ssub.s32 s1, s5;
	s2 =	sor.u32 s2, s7  }
0xa6: {  	_ =	swait.ge [sflag:s0], $0x800;
	p3 =	por p2, p2;
	s2 =	sor.u32 s25, s2  }
.Ltmp4:
0xa7: {  	s31 =	sshll.u32 s1, $0xB;
	s2 =	sor.u32 s23, s2;
	(pc) =	sbr.rel @p3 .LBB2_9-.Ltmp4, $4  }
0xa8: {  	s1 =	sor.u32 $0x4, s1;
	[sflag:s0] =	ssyncset.done $0x0;
	s2 =	sshrl.u32 s2, $0x3  }
0xa9: {  	[sflag:s0] =	ssyncadd.s32 $0xFFFFF800;
	s0 =	sadd.s32 $0x1BC28, s31;
	s2 =	sadd.s32 s3, s2  }
0xaa: {  	[hbm4b:s2+s13] =	stream.strided.scatter [tilespmem:s0], [sflag:s1], $0x800, s15, s13, $0x38;
	[tilespmem:$0x1D428] =	vst v63  }
0xab: {  	p2 =	por $0x0, $0x0;
	s0 =	simm.s32 $0x18  }
0xac: {  	s14 =	rddreg [dreg:$0xf]  }
0xad: {  	s14 =	sadd.s32 $0x1, s14  }
0xae: {  	p2 =	sne.s32 s14, $0x20  }
.Ltmp5:
0xaf: {  	_ = 	snop;
	(pc) =	sbr.rel @p2 .LBB2_6-.Ltmp5, $4  }
0xb0: {  	s12 =	rddreg [dreg:$0xc]  }
0xb1: {  	s16 =	rddreg [dreg:$0xd]  }
0xb2: {  	s21 =	rddreg [dreg:$0xe];
	s18 =	sadd.s32 $0x19, s18  }
0xb3: {  	s12 =	sadd.s32 $0x19, s12;
	s16 =	sadd.s32 $0x19, s16;
	s21 =	sadd.s32 $0xC800, s21  }
0xb4: {  	s0 =	simm.s32 $0x6  }
0xb5: {  	_ =	swait.ge [sflag:s0], $0x800  }
0xb6: {  	[sflag:s0] =	ssyncset.done $0x0  }
0xb7: {  	s30 =	simm.s32 $0x4;
	[sflag:s0] =	ssyncadd.s32 $0xFFFFF800  }
0xb8: {  	_ =	swait.ge [sflag:s30], $0x800  }
0xb9: {  	[sflag:s30] =	ssyncset.done $0x0  }
0xba: {  	s1 =	simm.s32 $0x5;
	[sflag:s30] =	ssyncadd.s32 $0xFFFFF800  }
0xbb: {  	_ =	swait.ge [sflag:s1], $0x800  }
0xbc: {  	s2 =	rddreg [dreg:$0xb]  }
0xbd: {  	s31 =	rddreg [dreg:$0x8];
	s2 =	sadd.s32 $0x1, s2  }
0xbe: {  	p2 =	sne.s32 s2, s31  }
.Ltmp6:
0xbf: {  	_ = 	snop;
	(pc) =	sbr.rel @p2 .LBB2_1-.Ltmp6, $4  }
0xc0: {  	_ = 	snop  }
0xc1: {  	[sflag:s1] =	ssyncset.done $0x0  }
0xc2: {  	[sflag:s1] =	ssyncadd.s32 $0xFFFFF800  }
0xc3: {  	s12 =	rddreg [dreg:$0x1]  }
0xc4: {  	_ =	sfence.sel $0x180000  }
0xc5: {  	[bflag:$0x0] =	sbarrier.arrive $0xFFFF  }
0xc6: {  	_ =	strace $0x90000047  }
0xc7: {  	[bflag:$0x2] =	sbarrier.arrive $0xFFFF  }
0xc8: {  	p0 =	sne.s32 s6, $0x0;
	s0 =	rddreg [dreg:$0x4]  }
0xc9: {  	s0 =	sadd.s32 @!p0 $0x100000, s0  }
0xca: {  	[sflag:s0] =	ssyncadd.tile.s32 @!p0 $0x1;
	_ =	shalt  }
.Lfunc_end2:
_tile_overlayer_lowered:
.L_overlay_start_2:
0xcb: {  	(tag) =	ssettag $0x2  }
0xcc: {  	s0 =	rddreg [dreg:$0x0];
	s2 =	stileid.u32  }
0xcd: {  	s1 =	rddreg [dreg:$0x1];
	p0 =	sne.s32 s2, $0x0  }
0xce: {  	s3 =	rddreg [dreg:$0x2];
	[bflag:$0x3] =	sbarrier.arrive $0xFFFF;
	s2 =	simm.s32 @!p0 $0x1C07  }
0xcf: {  	[timem:s3], [sflag:s2] =	dma.local @!p0 [hbm:s0], s1  }
0xd0: {  	s0 =	simm.s32 @!p0 $0x7  }
0xd1: {  	_ =	swait.ge @!p0 [sflag:s0], s1  }
0xd2: {  	s1 =	ssub.s32 @!p0 $0x0, s1;
	[sflag:s0] =	ssyncset.done @!p0 $0x0  }
0xd3: {  	[sflag:s0] =	ssyncadd.s32 @!p0 s1  }
0xd4: {  	[bflag:$0x3] =	sbarrier.arrive $0xFFFF  }
0xd5: {  	_ =	shalt  }

</sc_bundles>
